<compile_context>
chip_gen: v7x
topology: tpu7x:2x2x1
jax: 0.10.2.dev20260603
libtpu: 0.0.44.dev20260713+nightly
codegen_flags: <defaults>
</compile_context>

<pallas_src>
import functools

import jax
import jax.numpy as jnp
from jax import lax
from jax.experimental import pallas as pl
from jax.experimental.pallas import tpu as pltpu
from jax.experimental.pallas import tpu_sc as plsc

_B = 4
_N = 2048
_S = 512
_K = 32
_D = 256
_ROWS = 8
_COLS = _N // _ROWS


def _fps_body(x_ref, y_ref, z_ref, idx_ref, qx_ref, qy_ref, qz_ref):
    X = x_ref[...]
    Y = y_ref[...]
    Z = z_ref[...]
    pos = (lax.broadcasted_iota(jnp.int32, (_B, _ROWS, _COLS), 1) * _COLS
           + lax.broadcasted_iota(jnp.int32, (_B, _ROWS, _COLS), 2))
    cols = lax.broadcasted_iota(jnp.int32, (_B, _S), 1)

    def red(op, a):
        return op(op(a, axis=2, keepdims=True), axis=1, keepdims=True)

    def body(i, carry):
        dists, far, idx_acc, qxa, qya, qza = carry
        sel = pos == far
        cx = red(jnp.sum, jnp.where(sel, X, 0.0))
        cy = red(jnp.sum, jnp.where(sel, Y, 0.0))
        cz = red(jnp.sum, jnp.where(sel, Z, 0.0))
        dx = X - cx
        dy = Y - cy
        dz = Z - cz
        d = dx * dx + dy * dy + dz * dz
        dists = jnp.minimum(dists, d)
        wm = cols == i
        idx_acc = jnp.where(wm, far.reshape(_B, 1), idx_acc)
        qxa = jnp.where(wm, cx.reshape(_B, 1), qxa)
        qya = jnp.where(wm, cy.reshape(_B, 1), qya)
        qza = jnp.where(wm, cz.reshape(_B, 1), qza)
        m = red(jnp.max, dists)
        far = red(jnp.min, jnp.where(dists == m, pos, jnp.int32(_N)))
        return dists, far, idx_acc, qxa, qya, qza

    init = (jnp.full((_B, _ROWS, _COLS), 1e10, jnp.float32),
            jnp.zeros((_B, 1, 1), jnp.int32),
            jnp.zeros((_B, _S), jnp.int32),
            jnp.zeros((_B, _S), jnp.float32),
            jnp.zeros((_B, _S), jnp.float32),
            jnp.zeros((_B, _S), jnp.float32))
    _, _, idx_acc, qxa, qya, qza = lax.fori_loop(0, _S, body, init)
    idx_ref[...] = idx_acc
    qx_ref[...] = qxa
    qy_ref[...] = qya
    qz_ref[...] = qza


def _fps(X, Y, Z):
    return pl.pallas_call(
        _fps_body,
        out_shape=(jax.ShapeDtypeStruct((_B, _S), jnp.int32),
                   jax.ShapeDtypeStruct((_B, _S), jnp.float32),
                   jax.ShapeDtypeStruct((_B, _S), jnp.float32),
                   jax.ShapeDtypeStruct((_B, _S), jnp.float32)),
    )(X, Y, Z)


def _knn_body(q_ref, x_ref, idx_ref, dists_ref):
    q = q_ref[0]
    xt = x_ref[0]
    dot = lax.dot_general(q, xt, (((1,), (0,)), ((), ())),
                          preferred_element_type=jnp.float32)
    qx = q[:, 0:1]
    qy = q[:, 1:2]
    qz = q[:, 2:3]
    x = xt[0:1]
    y = xt[1:2]
    z = xt[2:3]
    q2 = qx * qx + qy * qy + qz * qz
    p2 = x * x + y * y + z * z
    dists_ref[...] = (-2.0 * dot + q2) + p2
    n_iota = lax.broadcasted_iota(jnp.int32, (_S, _N), 1)
    k_iota = lax.broadcasted_iota(jnp.int32, (_S, _K), 1)

    def body(k, idxbuf):
        dcur = dists_ref[...]
        m = jnp.min(dcur, axis=1, keepdims=True)
        am = jnp.min(jnp.where(dcur == m, n_iota, jnp.int32(_N)),
                     axis=1, keepdims=True)
        idxbuf = jnp.where(k_iota == k, am, idxbuf)
        dists_ref[...] = jnp.where(n_iota == am, jnp.float32(jnp.inf), dcur)
        return idxbuf

    idx_ref[0] = lax.fori_loop(0, _K, body,
                               jnp.zeros((_S, _K), jnp.int32))


def _knn(newq8, xt8):
    return pl.pallas_call(
        _knn_body,
        grid=(_B,),
        in_specs=[pl.BlockSpec((1, _S, 8), lambda b: (b, 0, 0)),
                  pl.BlockSpec((1, 8, _N), lambda b: (b, 0, 0))],
        out_specs=pl.BlockSpec((1, _S, _K), lambda b: (b, 0, 0)),
        out_shape=jax.ShapeDtypeStruct((_B, _S, _K), jnp.int32),
        scratch_shapes=[pltpu.VMEM((_S, _N), jnp.float32)],
    )(newq8, xt8)


def _sc_group(points_flat, nbr_idx, ctr_idx):
    info = plsc.get_sparse_core_info()
    nc, ns = info.num_cores, info.num_subcores
    nw = nc * ns
    pw = (_B * _S) // nw

    mesh = plsc.VectorSubcoreMesh(core_axis_name="c", subcore_axis_name="s")

    @functools.partial(
        pl.kernel,
        mesh=mesh,
        out_type=jax.ShapeDtypeStruct((_B * _S * _K, 2 * _D), jnp.float32),
        scratch_types=[
            pltpu.VMEM((pw,), jnp.int32),
            pltpu.VMEM((pw, _D), jnp.float32),
            pltpu.VMEM((pw, _K), jnp.int32),
            pltpu.VMEM((_K, _D), jnp.float32),
            pltpu.VMEM((_K, _D), jnp.float32),
            pltpu.VMEM((_K, 2 * _D), jnp.float32),
            pltpu.VMEM((_K, 2 * _D), jnp.float32),
            pltpu.SemaphoreType.DMA,
            pltpu.SemaphoreType.DMA,
            pltpu.SemaphoreType.DMA,
            pltpu.SemaphoreType.DMA,
        ],
    )
    def grouper(points_hbm, nbr_hbm, ctr_hbm, out_hbm,
                cidx_v, crows_v, nidx_v, n0, n1, o0, o1, gs0, gs1, os0, os1):
        wid = lax.axis_index("s") * nc + lax.axis_index("c")
        base = wid * pw
        pltpu.sync_copy(ctr_hbm.at[pl.ds(base, pw)], cidx_v)
        pltpu.async_copy(points_hbm.at[cidx_v], crows_v, gs0).wait()
        pltpu.sync_copy(nbr_hbm.at[pl.ds(base, pw)], nidx_v)

        def compute(p, nrows_v, otile_v):
            cvecs = [crows_v[p, pl.ds(16 * j, 16)] for j in range(_D // 16)]

            def k_body(k, __):
                for j in range(_D // 16):
                    v = nrows_v[k, pl.ds(16 * j, 16)]
                    otile_v[k, pl.ds(16 * j, 16)] = v - cvecs[j]
                    otile_v[k, pl.ds(_D + 16 * j, 16)] = cvecs[j]
                return 0

            lax.fori_loop(0, _K, k_body, 0)

        pltpu.async_copy(points_hbm.at[nidx_v.at[0]], n0, gs0)

        def outer(i, _):
            g = 2 * i
            pltpu.make_async_copy(points_hbm.at[nidx_v.at[g]], n0, gs0).wait()
            pltpu.async_copy(points_hbm.at[nidx_v.at[g + 1]], n1, gs1)

            @pl.when(g > 0)
            def _():
                pltpu.make_async_copy(
                    o0, out_hbm.at[pl.ds((base + g - 2) * _K, _K)], os0).wait()

            compute(g, n0, o0)
            pltpu.async_copy(o0, out_hbm.at[pl.ds((base + g) * _K, _K)], os0)

            pltpu.make_async_copy(points_hbm.at[nidx_v.at[g + 1]], n1, gs1).wait()

            @pl.when(g < pw - 2)
            def _():
                pltpu.async_copy(points_hbm.at[nidx_v.at[g + 2]], n0, gs0)

            @pl.when(g > 0)
            def _():
                pltpu.make_async_copy(
                    o1, out_hbm.at[pl.ds((base + g - 1) * _K, _K)], os1).wait()

            compute(g + 1, n1, o1)
            pltpu.async_copy(o1, out_hbm.at[pl.ds((base + g + 1) * _K, _K)], os1)
            return 0

        lax.fori_loop(0, pw // 2, outer, 0)
        pltpu.make_async_copy(
            o0, out_hbm.at[pl.ds((base + pw - 2) * _K, _K)], os0).wait()
        pltpu.make_async_copy(
            o1, out_hbm.at[pl.ds((base + pw - 1) * _K, _K)], os1).wait()

    return grouper(points_flat, nbr_idx, ctr_idx)


def kernel(xyz, points):
    X = xyz[:, :, 0]
    Y = xyz[:, :, 1]
    Z = xyz[:, :, 2]
    Xr = X.reshape(_B, _ROWS, _COLS)
    Yr = Y.reshape(_B, _ROWS, _COLS)
    Zr = Z.reshape(_B, _ROWS, _COLS)

    fps_idx, qx, qy, qz = _fps(Xr, Yr, Zr)
    new_xyz = jnp.stack([qx, qy, qz], axis=-1)

    zq = jnp.zeros_like(qx)
    newq8 = jnp.stack([qx, qy, qz, zq, zq, zq, zq, zq], axis=-1)
    zp = jnp.zeros_like(X)
    xt8 = jnp.stack([X, Y, Z, zp, zp, zp, zp, zp], axis=1)
    idx = _knn(newq8, xt8)

    offs = jnp.arange(_B, dtype=jnp.int32) * _N
    ctr_flat = (fps_idx + offs[:, None]).reshape(_B * _S)
    nbr_flat = (idx + offs[:, None, None]).reshape(_B * _S, _K)
    out_flat = _sc_group(points.reshape(_B * _N, _D), nbr_flat, ctr_flat)
    new_points_out = out_flat.reshape(_B, _S, _K, 2 * _D)
    return new_xyz, new_points_out

# --- scband reference (transcript-rebuilt; emitter-appended) ---
"""Pipeline reference for scband-local-grouper-25125558681682 (READ-ONLY COPY).

The authoritative reference and input builder live on the scoring server;
editing this copy changes nothing except your own understanding.
"""

import jax, jax.numpy as jnp
import numpy as np

GROUPS = 512
KNEIGHBORS = 32


def index_points(points, idx):
    # points: [B, N, C]; idx: [B, S] or [B, S, K] -> gathered [B, S, C] or [B, S, K, C]
    B = points.shape[0]
    batch = jnp.arange(B).reshape((B,) + (1,) * (idx.ndim - 1))
    return points[batch, idx]


def square_distance(src, dst):
    # src: [B, S, C], dst: [B, N, C] -> [B, S, N]
    d = -2.0 * jnp.einsum('bsc,bnc->bsn', src, dst)
    d = d + jnp.sum(src ** 2, axis=-1)[:, :, None]
    d = d + jnp.sum(dst ** 2, axis=-1)[:, None, :]
    return d


def furthest_point_sample(xyz, S):
    # Deterministic FPS (start from point 0). xyz: [B, N, 3] -> idx: [B, S] int32
    B, N, _ = xyz.shape

    def body(i, state):
        idxs, dists, farthest = state
        idxs = idxs.at[:, i].set(farthest)
        centroid = xyz[jnp.arange(B), farthest][:, None, :]  # [B, 1, 3]
        d = jnp.sum((xyz - centroid) ** 2, axis=-1)  # [B, N]
        dists = jnp.minimum(dists, d)
        farthest = jnp.argmax(dists, axis=-1).astype(jnp.int32)
        return (idxs, dists, farthest)

    idxs = jnp.zeros((B, S), dtype=jnp.int32)
    dists = jnp.full((B, N), 1e10, dtype=xyz.dtype)
    farthest = jnp.zeros((B,), dtype=jnp.int32)
    idxs, _, _ = jax.lax.fori_loop(0, S, body, (idxs, dists, farthest))
    return idxs


def knn_point(k, xyz, new_xyz):
    # indices of k nearest points in xyz for each query in new_xyz
    sqrdists = square_distance(new_xyz, xyz)  # [B, S, N]
    _, idx = jax.lax.top_k(-sqrdists, k)  # smallest distances
    return idx


def setup_inputs(seed: int = 0) -> dict:
    key = jax.random.key(seed)
    k1, k2 = jax.random.split(key)
    xyz = jax.random.uniform(k1, (4, 2048, 3), dtype=jnp.float32)
    points = jax.random.normal(k2, (4, 2048, 256), dtype=jnp.float32)
    return {"xyz": xyz, "points": points}


def reference(xyz, points):
    B, N, C = xyz.shape
    S = GROUPS
    K = KNEIGHBORS
    D = points.shape[-1]
    fps_idx = furthest_point_sample(xyz, S)  # [B, S]
    new_xyz = index_points(xyz, fps_idx)  # [B, S, 3]
    new_points = index_points(points, fps_idx)  # [B, S, D]
    idx = knn_point(K, xyz, new_xyz)  # [B, S, K]
    grouped_points = index_points(points, idx)  # [B, S, K, D]
    grouped_points_norm = grouped_points - new_points[:, :, None, :]
    center_rep = jnp.broadcast_to(new_points[:, :, None, :], (B, S, K, D))
    new_points_out = jnp.concatenate([grouped_points_norm, center_rep], axis=-1)  # [B, S, K, 2D]
    return (new_xyz, new_points_out)

if __name__ == "__main__":
    import jax
    _d = setup_inputs()
    print(jax.jit(kernel)(*tuple(_d.values())))

</pallas_src>

<mosaic_0001>
#map = affine_map<(d0, d1) -> (0, 0)>
#map1 = affine_map<(d0, d1) -> (0)>
module attributes {stable_mosaic.version = 14 : i64} {
  func.func @grouper(%arg0: i32, %arg1: i32, %arg2: memref<8192x256xf32, #tpu.memory_space<hbm>>, %arg3: memref<2048x32xi32, #tpu.memory_space<hbm>>, %arg4: memref<2048xi32, #tpu.memory_space<hbm>>, %arg5: memref<65536x512xf32, #tpu.memory_space<hbm>>, %arg6: memref<64xi32, #tpu.memory_space<vmem>>, %arg7: memref<64x256xf32, #tpu.memory_space<vmem>>, %arg8: memref<64x32xi32, #tpu.memory_space<vmem>>, %arg9: memref<32x256xf32, #tpu.memory_space<vmem>>, %arg10: memref<32x256xf32, #tpu.memory_space<vmem>>, %arg11: memref<32x512xf32, #tpu.memory_space<vmem>>, %arg12: memref<32x512xf32, #tpu.memory_space<vmem>>, %arg13: memref<!tpu.dma_semaphore, #tpu.memory_space<semaphore_mem>>, %arg14: memref<!tpu.dma_semaphore, #tpu.memory_space<semaphore_mem>>, %arg15: memref<!tpu.dma_semaphore, #tpu.memory_space<semaphore_mem>>, %arg16: memref<!tpu.dma_semaphore, #tpu.memory_space<semaphore_mem>>) attributes {dimension_semantics = [#tpu.dimension_semantics<core_parallel>, #tpu.dimension_semantics<subcore_parallel>], iteration_bounds = array<i64: 2, 16>, scalar_prefetch = 0 : i64, scratch_operands = 11 : i64, tpu.core_type = #tpu.core_type<sc_vector_subcore>, window_params = [{transform_indices = #map}, {transform_indices = #map}, {transform_indices = #map1}, {transform_indices = #map}]} {
    %mul3A = arith.constant 2 : i32
    %mul3A_0 = arith.muli %arg1, %mul3A : i32
    %add3A = arith.addi %mul3A_0, %arg0 : i32
    %mul3A_1 = arith.constant 64 : i32
    %mul3A_2 = arith.muli %add3A, %mul3A_1 : i32
    "tpu.region"() ({
      %run_scoped3A = tpu.sem_alloc : memref<!tpu.dma_semaphore, #tpu.memory_space<semaphore_mem>>
      %dma_start3A_39 = tpu.memref_slice %arg4[%mul3A_2] : memref<2048xi32, #tpu.memory_space<hbm>> -> memref<64xi32, #tpu.memory_space<hbm>>
      %dma_start3A_40 = tpu.memref_slice %arg4[%mul3A_2] : memref<2048xi32, #tpu.memory_space<hbm>> -> memref<64xi32, #tpu.memory_space<hbm>>
      tpu.enqueue_dma source(%dma_start3A_40 : memref<64xi32, #tpu.memory_space<hbm>>) target(%arg6 : memref<64xi32, #tpu.memory_space<vmem>>) target_semaphore(%run_scoped3A : memref<!tpu.dma_semaphore, #tpu.memory_space<semaphore_mem>>)
      %dma_wait3A_41 = tpu.memref_slice %arg4[%mul3A_2] : memref<2048xi32, #tpu.memory_space<hbm>> -> memref<64xi32, #tpu.memory_space<hbm>>
      %dma_wait3A_42 = tpu.memref_slice %arg4[%mul3A_2] : memref<2048xi32, #tpu.memory_space<hbm>> -> memref<64xi32, #tpu.memory_space<hbm>>
      tpu.wait_dma2 semaphore(%run_scoped3A : memref<!tpu.dma_semaphore, #tpu.memory_space<semaphore_mem>>) src(%dma_wait3A_42 : memref<64xi32, #tpu.memory_space<hbm>>) dst(%arg6 : memref<64xi32, #tpu.memory_space<vmem>>)
      tpu.yield
    }) : () -> ()
    %dma_start3A = arith.constant 0 : i32
    %dma_start3A_3 = arith.constant 0 : i32
    %dma_start3A_4 = tpu.memref_slice %arg2[%dma_start3A, %dma_start3A_3] : memref<8192x256xf32, #tpu.memory_space<hbm>> -> memref<8192x256xf32, #tpu.memory_space<hbm>>
    tpu.enqueue_indirect_dma source(%dma_start3A_4 : memref<8192x256xf32, #tpu.memory_space<hbm>>) target(%arg7 : memref<64x256xf32, #tpu.memory_space<vmem>>) offsets(%arg6 : memref<64xi32, #tpu.memory_space<vmem>>) semaphore(%arg13 : memref<!tpu.dma_semaphore, #tpu.memory_space<semaphore_mem>>)
    %dma_wait3A = arith.constant 0 : i32
    %dma_wait3A_5 = arith.constant 0 : i32
    %dma_wait3A_6 = tpu.memref_slice %arg2[%dma_wait3A, %dma_wait3A_5] : memref<8192x256xf32, #tpu.memory_space<hbm>> -> memref<8192x256xf32, #tpu.memory_space<hbm>>
    tpu.wait_indirect_dma semaphore(%arg13 : memref<!tpu.dma_semaphore, #tpu.memory_space<semaphore_mem>>) src(%dma_wait3A_6 : memref<8192x256xf32, #tpu.memory_space<hbm>>) dst(%arg7 : memref<64x256xf32, #tpu.memory_space<vmem>>)
    "tpu.region"() ({
      %run_scoped3A = tpu.sem_alloc : memref<!tpu.dma_semaphore, #tpu.memory_space<semaphore_mem>>
      %dma_start3A_39 = arith.constant 0 : i32
      %dma_start3A_40 = tpu.memref_slice %arg3[%mul3A_2, %dma_start3A_39] : memref<2048x32xi32, #tpu.memory_space<hbm>> -> memref<64x32xi32, #tpu.memory_space<hbm>>
      %dma_start3A_41 = arith.constant 0 : i32
      %dma_start3A_42 = tpu.memref_slice %arg3[%mul3A_2, %dma_start3A_41] : memref<2048x32xi32, #tpu.memory_space<hbm>> -> memref<64x32xi32, #tpu.memory_space<hbm>>
      tpu.enqueue_dma source(%dma_start3A_42 : memref<64x32xi32, #tpu.memory_space<hbm>>) target(%arg8 : memref<64x32xi32, #tpu.memory_space<vmem>>) target_semaphore(%run_scoped3A : memref<!tpu.dma_semaphore, #tpu.memory_space<semaphore_mem>>)
      %dma_wait3A_43 = arith.constant 0 : i32
      %dma_wait3A_44 = tpu.memref_slice %arg3[%mul3A_2, %dma_wait3A_43] : memref<2048x32xi32, #tpu.memory_space<hbm>> -> memref<64x32xi32, #tpu.memory_space<hbm>>
      %dma_wait3A_45 = arith.constant 0 : i32
      %dma_wait3A_46 = tpu.memref_slice %arg3[%mul3A_2, %dma_wait3A_45] : memref<2048x32xi32, #tpu.memory_space<hbm>> -> memref<64x32xi32, #tpu.memory_space<hbm>>
      tpu.wait_dma2 semaphore(%run_scoped3A : memref<!tpu.dma_semaphore, #tpu.memory_space<semaphore_mem>>) src(%dma_wait3A_46 : memref<64x32xi32, #tpu.memory_space<hbm>>) dst(%arg8 : memref<64x32xi32, #tpu.memory_space<vmem>>)
      tpu.yield
    }) : () -> ()
    %dma_start3A_7 = arith.constant 0 : i32
    %dma_start3A_8 = arith.constant 0 : i32
    %dma_start3A_9 = tpu.memref_slice %arg8[%dma_start3A_7, %dma_start3A_8] : memref<64x32xi32, #tpu.memory_space<vmem>> -> memref<1x32xi32, #tpu.memory_space<vmem>>
    %dma_start3A_10 = tpu.memref_squeeze %dma_start3A_9 : memref<1x32xi32, #tpu.memory_space<vmem>> -> memref<32xi32, #tpu.memory_space<vmem>>
    %dma_start3A_11 = arith.constant 0 : i32
    %dma_start3A_12 = arith.constant 0 : i32
    %dma_start3A_13 = tpu.memref_slice %arg2[%dma_start3A_11, %dma_start3A_12] : memref<8192x256xf32, #tpu.memory_space<hbm>> -> memref<8192x256xf32, #tpu.memory_space<hbm>>
    tpu.enqueue_indirect_dma source(%dma_start3A_13 : memref<8192x256xf32, #tpu.memory_space<hbm>>) target(%arg9 : memref<32x256xf32, #tpu.memory_space<vmem>>) offsets(%dma_start3A_10 : memref<32xi32, #tpu.memory_space<vmem>>) semaphore(%arg13 : memref<!tpu.dma_semaphore, #tpu.memory_space<semaphore_mem>>)
    %scan3A = arith.constant 0 : i32
    %scan3A_14 = arith.constant 0 : i32
    %scan3A_15 = arith.constant 32 : i32
    %scan3A_16 = arith.addi %scan3A_14, %scan3A_15 : i32
    %scan3A_17 = arith.constant 1 : i32
    %scan3A_18 = scf.for %scan3A_39 = %scan3A_14 to %scan3A_16 step %scan3A_17 iter_args(%scan3A_40 = %scan3A) -> (i32)  : i32 {
      %mul3A_41 = arith.constant 2 : i32
      %mul3A_42 = arith.muli %mul3A_41, %scan3A_39 : i32
      %dma_wait3A_43 = arith.constant 0 : i32
      %dma_wait3A_44 = tpu.memref_slice %arg8[%mul3A_42, %dma_wait3A_43] : memref<64x32xi32, #tpu.memory_space<vmem>> -> memref<1x32xi32, #tpu.memory_space<vmem>>
      %dma_wait3A_45 = tpu.memref_squeeze %dma_wait3A_44 : memref<1x32xi32, #tpu.memory_space<vmem>> -> memref<32xi32, #tpu.memory_space<vmem>>
      %dma_wait3A_46 = arith.constant 0 : i32
      %dma_wait3A_47 = arith.constant 0 : i32
      %dma_wait3A_48 = tpu.memref_slice %arg2[%dma_wait3A_46, %dma_wait3A_47] : memref<8192x256xf32, #tpu.memory_space<hbm>> -> memref<8192x256xf32, #tpu.memory_space<hbm>>
      tpu.wait_indirect_dma semaphore(%arg13 : memref<!tpu.dma_semaphore, #tpu.memory_space<semaphore_mem>>) src(%dma_wait3A_48 : memref<8192x256xf32, #tpu.memory_space<hbm>>) dst(%arg9 : memref<32x256xf32, #tpu.memory_space<vmem>>)
      %add3A_49 = arith.constant 1 : i32
      %add3A_50 = arith.addi %mul3A_42, %add3A_49 : i32
      %dma_start3A_51 = arith.constant 0 : i32
      %dma_start3A_52 = tpu.memref_slice %arg8[%add3A_50, %dma_start3A_51] : memref<64x32xi32, #tpu.memory_space<vmem>> -> memref<1x32xi32, #tpu.memory_space<vmem>>
      %dma_start3A_53 = tpu.memref_squeeze %dma_start3A_52 : memref<1x32xi32, #tpu.memory_space<vmem>> -> memref<32xi32, #tpu.memory_space<vmem>>
      %dma_start3A_54 = arith.constant 0 : i32
      %dma_start3A_55 = arith.constant 0 : i32
      %dma_start3A_56 = tpu.memref_slice %arg2[%dma_start3A_54, %dma_start3A_55] : memref<8192x256xf32, #tpu.memory_space<hbm>> -> memref<8192x256xf32, #tpu.memory_space<hbm>>
      tpu.enqueue_indirect_dma source(%dma_start3A_56 : memref<8192x256xf32, #tpu.memory_space<hbm>>) target(%arg10 : memref<32x256xf32, #tpu.memory_space<vmem>>) offsets(%dma_start3A_53 : memref<32xi32, #tpu.memory_space<vmem>>) semaphore(%arg14 : memref<!tpu.dma_semaphore, #tpu.memory_space<semaphore_mem>>)
      %gt3A = arith.constant 0 : i32
      %gt3A_57 = arith.cmpi sgt, %mul3A_42, %gt3A : i32
      %convert_element_type3A = arith.extui %gt3A_57 : i1 to i32
      %cond3A = arith.constant 0 : i32
      %cond3A_58 = arith.cmpi ne, %convert_element_type3A, %cond3A : i32
      scf.if %cond3A_58 {
        %add3A_236 = arith.addi %mul3A_2, %mul3A_42 : i32
        %sub3A_237 = arith.constant 2 : i32
        %sub3A_238 = arith.subi %add3A_236, %sub3A_237 : i32
        %mul3A_239 = arith.constant 32 : i32
        %mul3A_240 = arith.muli %sub3A_238, %mul3A_239 : i32
        %dma_wait3A_241 = arith.constant 0 : i32
        %dma_wait3A_242 = tpu.memref_slice %arg5[%mul3A_240, %dma_wait3A_241] : memref<65536x512xf32, #tpu.memory_space<hbm>> -> memref<32x512xf32, #tpu.memory_space<hbm>>
        %dma_wait3A_243 = arith.constant 0 : i32
        %dma_wait3A_244 = tpu.memref_slice %arg5[%mul3A_240, %dma_wait3A_243] : memref<65536x512xf32, #tpu.memory_space<hbm>> -> memref<32x512xf32, #tpu.memory_space<hbm>>
        tpu.wait_dma2 semaphore(%arg15 : memref<!tpu.dma_semaphore, #tpu.memory_space<semaphore_mem>>) src(%arg11 : memref<32x512xf32, #tpu.memory_space<vmem>>) dst(%dma_wait3A_244 : memref<32x512xf32, #tpu.memory_space<hbm>>)
      } else {
      }
      %get3A = arith.index_cast %mul3A_42 : i32 to index
      %get3A_59 = arith.constant 0 : index
      %get3A_60 = tpu.vector_load %arg7[%get3A, %get3A_59] {strides = array<i32>} : memref<64x256xf32, #tpu.memory_space<vmem>>, vector<1x16xf32>,
      %get3A_61 = vector.shape_cast %get3A_60 : vector<1x16xf32> to vector<16xf32>
      %get3A_62 = arith.index_cast %mul3A_42 : i32 to index
      %get3A_63 = arith.constant 16 : index
      %get3A_64 = tpu.vector_load %arg7[%get3A_62, %get3A_63] {strides = array<i32>} : memref<64x256xf32, #tpu.memory_space<vmem>>, vector<1x16xf32>,
      %get3A_65 = vector.shape_cast %get3A_64 : vector<1x16xf32> to vector<16xf32>
      %get3A_66 = arith.index_cast %mul3A_42 : i32 to index
      %get3A_67 = arith.constant 32 : index
      %get3A_68 = tpu.vector_load %arg7[%get3A_66, %get3A_67] {strides = array<i32>} : memref<64x256xf32, #tpu.memory_space<vmem>>, vector<1x16xf32>,
      %get3A_69 = vector.shape_cast %get3A_68 : vector<1x16xf32> to vector<16xf32>
      %get3A_70 = arith.index_cast %mul3A_42 : i32 to index
      %get3A_71 = arith.constant 48 : index
      %get3A_72 = tpu.vector_load %arg7[%get3A_70, %get3A_71] {strides = array<i32>} : memref<64x256xf32, #tpu.memory_space<vmem>>, vector<1x16xf32>,
      %get3A_73 = vector.shape_cast %get3A_72 : vector<1x16xf32> to vector<16xf32>
      %get3A_74 = arith.index_cast %mul3A_42 : i32 to index
      %get3A_75 = arith.constant 64 : index
      %get3A_76 = tpu.vector_load %arg7[%get3A_74, %get3A_75] {strides = array<i32>} : memref<64x256xf32, #tpu.memory_space<vmem>>, vector<1x16xf32>,
      %get3A_77 = vector.shape_cast %get3A_76 : vector<1x16xf32> to vector<16xf32>
      %get3A_78 = arith.index_cast %mul3A_42 : i32 to index
      %get3A_79 = arith.constant 80 : index
      %get3A_80 = tpu.vector_load %arg7[%get3A_78, %get3A_79] {strides = array<i32>} : memref<64x256xf32, #tpu.memory_space<vmem>>, vector<1x16xf32>,
      %get3A_81 = vector.shape_cast %get3A_80 : vector<1x16xf32> to vector<16xf32>
      %get3A_82 = arith.index_cast %mul3A_42 : i32 to index
      %get3A_83 = arith.constant 96 : index
      %get3A_84 = tpu.vector_load %arg7[%get3A_82, %get3A_83] {strides = array<i32>} : memref<64x256xf32, #tpu.memory_space<vmem>>, vector<1x16xf32>,
      %get3A_85 = vector.shape_cast %get3A_84 : vector<1x16xf32> to vector<16xf32>
      %get3A_86 = arith.index_cast %mul3A_42 : i32 to index
      %get3A_87 = arith.constant 112 : index
      %get3A_88 = tpu.vector_load %arg7[%get3A_86, %get3A_87] {strides = array<i32>} : memref<64x256xf32, #tpu.memory_space<vmem>>, vector<1x16xf32>,
      %get3A_89 = vector.shape_cast %get3A_88 : vector<1x16xf32> to vector<16xf32>
      %get3A_90 = arith.index_cast %mul3A_42 : i32 to index
      %get3A_91 = arith.constant 128 : index
      %get3A_92 = tpu.vector_load %arg7[%get3A_90, %get3A_91] {strides = array<i32>} : memref<64x256xf32, #tpu.memory_space<vmem>>, vector<1x16xf32>,
      %get3A_93 = vector.shape_cast %get3A_92 : vector<1x16xf32> to vector<16xf32>
      %get3A_94 = arith.index_cast %mul3A_42 : i32 to index
      %get3A_95 = arith.constant 144 : index
      %get3A_96 = tpu.vector_load %arg7[%get3A_94, %get3A_95] {strides = array<i32>} : memref<64x256xf32, #tpu.memory_space<vmem>>, vector<1x16xf32>,
      %get3A_97 = vector.shape_cast %get3A_96 : vector<1x16xf32> to vector<16xf32>
      %get3A_98 = arith.index_cast %mul3A_42 : i32 to index
      %get3A_99 = arith.constant 160 : index
      %get3A_100 = tpu.vector_load %arg7[%get3A_98, %get3A_99] {strides = array<i32>} : memref<64x256xf32, #tpu.memory_space<vmem>>, vector<1x16xf32>,
      %get3A_101 = vector.shape_cast %get3A_100 : vector<1x16xf32> to vector<16xf32>
      %get3A_102 = arith.index_cast %mul3A_42 : i32 to index
      %get3A_103 = arith.constant 176 : index
      %get3A_104 = tpu.vector_load %arg7[%get3A_102, %get3A_103] {strides = array<i32>} : memref<64x256xf32, #tpu.memory_space<vmem>>, vector<1x16xf32>,
      %get3A_105 = vector.shape_cast %get3A_104 : vector<1x16xf32> to vector<16xf32>
      %get3A_106 = arith.index_cast %mul3A_42 : i32 to index
      %get3A_107 = arith.constant 192 : index
      %get3A_108 = tpu.vector_load %arg7[%get3A_106, %get3A_107] {strides = array<i32>} : memref<64x256xf32, #tpu.memory_space<vmem>>, vector<1x16xf32>,
      %get3A_109 = vector.shape_cast %get3A_108 : vector<1x16xf32> to vector<16xf32>
      %get3A_110 = arith.index_cast %mul3A_42 : i32 to index
      %get3A_111 = arith.constant 208 : index
      %get3A_112 = tpu.vector_load %arg7[%get3A_110, %get3A_111] {strides = array<i32>} : memref<64x256xf32, #tpu.memory_space<vmem>>, vector<1x16xf32>,
      %get3A_113 = vector.shape_cast %get3A_112 : vector<1x16xf32> to vector<16xf32>
      %get3A_114 = arith.index_cast %mul3A_42 : i32 to index
      %get3A_115 = arith.constant 224 : index
      %get3A_116 = tpu.vector_load %arg7[%get3A_114, %get3A_115] {strides = array<i32>} : memref<64x256xf32, #tpu.memory_space<vmem>>, vector<1x16xf32>,
      %get3A_117 = vector.shape_cast %get3A_116 : vector<1x16xf32> to vector<16xf32>
      %get3A_118 = arith.index_cast %mul3A_42 : i32 to index
      %get3A_119 = arith.constant 240 : index
      %get3A_120 = tpu.vector_load %arg7[%get3A_118, %get3A_119] {strides = array<i32>} : memref<64x256xf32, #tpu.memory_space<vmem>>, vector<1x16xf32>,
      %get3A_121 = vector.shape_cast %get3A_120 : vector<1x16xf32> to vector<16xf32>
      %scan3A_122 = arith.constant 0 : i32
      %scan3A_123 = arith.constant 0 : i32
      %scan3A_124 = arith.constant 32 : i32
      %scan3A_125 = arith.addi %scan3A_123, %scan3A_124 : i32
      %scan3A_126 = arith.constant 1 : i32
      %scan3A_127 = scf.for %scan3A_236 = %scan3A_123 to %scan3A_125 step %scan3A_126 iter_args(%scan3A_237 = %scan3A_122) -> (i32)  : i32 {
        %get3A_238 = arith.index_cast %scan3A_236 : i32 to index
        %get3A_239 = arith.constant 0 : index
        %get3A_240 = tpu.vector_load %arg9[%get3A_238, %get3A_239] {strides = array<i32>} : memref<32x256xf32, #tpu.memory_space<vmem>>, vector<1x16xf32>,
        %get3A_241 = vector.shape_cast %get3A_240 : vector<1x16xf32> to vector<16xf32>
        %sub3A_242 = arith.subf %get3A_241, %get3A_61 : vector<16xf32>
        %swap3A = arith.index_cast %scan3A_236 : i32 to index
        %swap3A_243 = arith.constant 0 : index
        %swap3A_244 = tpu.vector_load %arg11[%swap3A, %swap3A_243] {strides = array<i32>} : memref<32x512xf32, #tpu.memory_space<vmem>>, vector<1x16xf32>,
        %swap3A_245 = vector.shape_cast %swap3A_244 : vector<1x16xf32> to vector<16xf32>
        %swap3A_246 = vector.shape_cast %sub3A_242 : vector<16xf32> to vector<1x16xf32>
        tpu.vector_store %arg11[%swap3A, %swap3A_243], %swap3A_246 {strides = array<i32>} : memref<32x512xf32, #tpu.memory_space<vmem>>, vector<1x16xf32>,
        %swap3A_247 = arith.index_cast %scan3A_236 : i32 to index
        %swap3A_248 = arith.constant 256 : index
        %swap3A_249 = tpu.vector_load %arg11[%swap3A_247, %swap3A_248] {strides = array<i32>} : memref<32x512xf32, #tpu.memory_space<vmem>>, vector<1x16xf32>,
        %swap3A_250 = vector.shape_cast %swap3A_249 : vector<1x16xf32> to vector<16xf32>
        %swap3A_251 = vector.shape_cast %get3A_61 : vector<16xf32> to vector<1x16xf32>
        tpu.vector_store %arg11[%swap3A_247, %swap3A_248], %swap3A_251 {strides = array<i32>} : memref<32x512xf32, #tpu.memory_space<vmem>>, vector<1x16xf32>,
        %get3A_252 = arith.index_cast %scan3A_236 : i32 to index
        %get3A_253 = arith.constant 16 : index
        %get3A_254 = tpu.vector_load %arg9[%get3A_252, %get3A_253] {strides = array<i32>} : memref<32x256xf32, #tpu.memory_space<vmem>>, vector<1x16xf32>,
        %get3A_255 = vector.shape_cast %get3A_254 : vector<1x16xf32> to vector<16xf32>
        %sub3A_256 = arith.subf %get3A_255, %get3A_65 : vector<16xf32>
        %swap3A_257 = arith.index_cast %scan3A_236 : i32 to index
        %swap3A_258 = arith.constant 16 : index
        %swap3A_259 = tpu.vector_load %arg11[%swap3A_257, %swap3A_258] {strides = array<i32>} : memref<32x512xf32, #tpu.memory_space<vmem>>, vector<1x16xf32>,
        %swap3A_260 = vector.shape_cast %swap3A_259 : vector<1x16xf32> to vector<16xf32>
        %swap3A_261 = vector.shape_cast %sub3A_256 : vector<16xf32> to vector<1x16xf32>
        tpu.vector_store %arg11[%swap3A_257, %swap3A_258], %swap3A_261 {strides = array<i32>} : memref<32x512xf32, #tpu.memory_space<vmem>>, vector<1x16xf32>,
        %swap3A_262 = arith.index_cast %scan3A_236 : i32 to index
        %swap3A_263 = arith.constant 272 : index
        %swap3A_264 = tpu.vector_load %arg11[%swap3A_262, %swap3A_263] {strides = array<i32>} : memref<32x512xf32, #tpu.memory_space<vmem>>, vector<1x16xf32>,
        %swap3A_265 = vector.shape_cast %swap3A_264 : vector<1x16xf32> to vector<16xf32>
        %swap3A_266 = vector.shape_cast %get3A_65 : vector<16xf32> to vector<1x16xf32>
        tpu.vector_store %arg11[%swap3A_262, %swap3A_263], %swap3A_266 {strides = array<i32>} : memref<32x512xf32, #tpu.memory_space<vmem>>, vector<1x16xf32>,
        %get3A_267 = arith.index_cast %scan3A_236 : i32 to index
        %get3A_268 = arith.constant 32 : index
        %get3A_269 = tpu.vector_load %arg9[%get3A_267, %get3A_268] {strides = array<i32>} : memref<32x256xf32, #tpu.memory_space<vmem>>, vector<1x16xf32>,
        %get3A_270 = vector.shape_cast %get3A_269 : vector<1x16xf32> to vector<16xf32>
        %sub3A_271 = arith.subf %get3A_270, %get3A_69 : vector<16xf32>
        %swap3A_272 = arith.index_cast %scan3A_236 : i32 to index
        %swap3A_273 = arith.constant 32 : index
        %swap3A_274 = tpu.vector_load %arg11[%swap3A_272, %swap3A_273] {strides = array<i32>} : memref<32x512xf32, #tpu.memory_space<vmem>>, vector<1x16xf32>,
        %swap3A_275 = vector.shape_cast %swap3A_274 : vector<1x16xf32> to vector<16xf32>
        %swap3A_276 = vector.shape_cast %sub3A_271 : vector<16xf32> to vector<1x16xf32>
        tpu.vector_store %arg11[%swap3A_272, %swap3A_273], %swap3A_276 {strides = array<i32>} : memref<32x512xf32, #tpu.memory_space<vmem>>, vector<1x16xf32>,
        %swap3A_277 = arith.index_cast %scan3A_236 : i32 to index
        %swap3A_278 = arith.constant 288 : index
        %swap3A_279 = tpu.vector_load %arg11[%swap3A_277, %swap3A_278] {strides = array<i32>} : memref<32x512xf32, #tpu.memory_space<vmem>>, vector<1x16xf32>,
        %swap3A_280 = vector.shape_cast %swap3A_279 : vector<1x16xf32> to vector<16xf32>
        %swap3A_281 = vector.shape_cast %get3A_69 : vector<16xf32> to vector<1x16xf32>
        tpu.vector_store %arg11[%swap3A_277, %swap3A_278], %swap3A_281 {strides = array<i32>} : memref<32x512xf32, #tpu.memory_space<vmem>>, vector<1x16xf32>,
        %get3A_282 = arith.index_cast %scan3A_236 : i32 to index
        %get3A_283 = arith.constant 48 : index
        %get3A_284 = tpu.vector_load %arg9[%get3A_282, %get3A_283] {strides = array<i32>} : memref<32x256xf32, #tpu.memory_space<vmem>>, vector<1x16xf32>,
        %get3A_285 = vector.shape_cast %get3A_284 : vector<1x16xf32> to vector<16xf32>
        %sub3A_286 = arith.subf %get3A_285, %get3A_73 : vector<16xf32>
        %swap3A_287 = arith.index_cast %scan3A_236 : i32 to index
        %swap3A_288 = arith.constant 48 : index
        %swap3A_289 = tpu.vector_load %arg11[%swap3A_287, %swap3A_288] {strides = array<i32>} : memref<32x512xf32, #tpu.memory_space<vmem>>, vector<1x16xf32>,
        %swap3A_290 = vector.shape_cast %swap3A_289 : vector<1x16xf32> to vector<16xf32>
        %swap3A_291 = vector.shape_cast %sub3A_286 : vector<16xf32> to vector<1x16xf32>
        tpu.vector_store %arg11[%swap3A_287, %swap3A_288], %swap3A_291 {strides = array<i32>} : memref<32x512xf32, #tpu.memory_space<vmem>>, vector<1x16xf32>,
        %swap3A_292 = arith.index_cast %scan3A_236 : i32 to index
        %swap3A_293 = arith.constant 304 : index
        %swap3A_294 = tpu.vector_load %arg11[%swap3A_292, %swap3A_293] {strides = array<i32>} : memref<32x512xf32, #tpu.memory_space<vmem>>, vector<1x16xf32>,
        %swap3A_295 = vector.shape_cast %swap3A_294 : vector<1x16xf32> to vector<16xf32>
        %swap3A_296 = vector.shape_cast %get3A_73 : vector<16xf32> to vector<1x16xf32>
        tpu.vector_store %arg11[%swap3A_292, %swap3A_293], %swap3A_296 {strides = array<i32>} : memref<32x512xf32, #tpu.memory_space<vmem>>, vector<1x16xf32>,
        %get3A_297 = arith.index_cast %scan3A_236 : i32 to index
        %get3A_298 = arith.constant 64 : index
        %get3A_299 = tpu.vector_load %arg9[%get3A_297, %get3A_298] {strides = array<i32>} : memref<32x256xf32, #tpu.memory_space<vmem>>, vector<1x16xf32>,
        %get3A_300 = vector.shape_cast %get3A_299 : vector<1x16xf32> to vector<16xf32>
        %sub3A_301 = arith.subf %get3A_300, %get3A_77 : vector<16xf32>
        %swap3A_302 = arith.index_cast %scan3A_236 : i32 to index
        %swap3A_303 = arith.constant 64 : index
        %swap3A_304 = tpu.vector_load %arg11[%swap3A_302, %swap3A_303] {strides = array<i32>} : memref<32x512xf32, #tpu.memory_space<vmem>>, vector<1x16xf32>,
        %swap3A_305 = vector.shape_cast %swap3A_304 : vector<1x16xf32> to vector<16xf32>
        %swap3A_306 = vector.shape_cast %sub3A_301 : vector<16xf32> to vector<1x16xf32>
        tpu.vector_store %arg11[%swap3A_302, %swap3A_303], %swap3A_306 {strides = array<i32>} : memref<32x512xf32, #tpu.memory_space<vmem>>, vector<1x16xf32>,
        %swap3A_307 = arith.index_cast %scan3A_236 : i32 to index
        %swap3A_308 = arith.constant 320 : index
        %swap3A_309 = tpu.vector_load %arg11[%swap3A_307, %swap3A_308] {strides = array<i32>} : memref<32x512xf32, #tpu.memory_space<vmem>>, vector<1x16xf32>,
        %swap3A_310 = vector.shape_cast %swap3A_309 : vector<1x16xf32> to vector<16xf32>
        %swap3A_311 = vector.shape_cast %get3A_77 : vector<16xf32> to vector<1x16xf32>
        tpu.vector_store %arg11[%swap3A_307, %swap3A_308], %swap3A_311 {strides = array<i32>} : memref<32x512xf32, #tpu.memory_space<vmem>>, vector<1x16xf32>,
        %get3A_312 = arith.index_cast %scan3A_236 : i32 to index
        %get3A_313 = arith.constant 80 : index
        %get3A_314 = tpu.vector_load %arg9[%get3A_312, %get3A_313] {strides = array<i32>} : memref<32x256xf32, #tpu.memory_space<vmem>>, vector<1x16xf32>,
        %get3A_315 = vector.shape_cast %get3A_314 : vector<1x16xf32> to vector<16xf32>
        %sub3A_316 = arith.subf %get3A_315, %get3A_81 : vector<16xf32>
        %swap3A_317 = arith.index_cast %scan3A_236 : i32 to index
        %swap3A_318 = arith.constant 80 : index
        %swap3A_319 = tpu.vector_load %arg11[%swap3A_317, %swap3A_318] {strides = array<i32>} : memref<32x512xf32, #tpu.memory_space<vmem>>, vector<1x16xf32>,
        %swap3A_320 = vector.shape_cast %swap3A_319 : vector<1x16xf32> to vector<16xf32>
        %swap3A_321 = vector.shape_cast %sub3A_316 : vector<16xf32> to vector<1x16xf32>
        tpu.vector_store %arg11[%swap3A_317, %swap3A_318], %swap3A_321 {strides = array<i32>} : memref<32x512xf32, #tpu.memory_space<vmem>>, vector<1x16xf32>,
        %swap3A_322 = arith.index_cast %scan3A_236 : i32 to index
        %swap3A_323 = arith.constant 336 : index
        %swap3A_324 = tpu.vector_load %arg11[%swap3A_322, %swap3A_323] {strides = array<i32>} : memref<32x512xf32, #tpu.memory_space<vmem>>, vector<1x16xf32>,
        %swap3A_325 = vector.shape_cast %swap3A_324 : vector<1x16xf32> to vector<16xf32>
        %swap3A_326 = vector.shape_cast %get3A_81 : vector<16xf32> to vector<1x16xf32>
        tpu.vector_store %arg11[%swap3A_322, %swap3A_323], %swap3A_326 {strides = array<i32>} : memref<32x512xf32, #tpu.memory_space<vmem>>, vector<1x16xf32>,
        %get3A_327 = arith.index_cast %scan3A_236 : i32 to index
        %get3A_328 = arith.constant 96 : index
        %get3A_329 = tpu.vector_load %arg9[%get3A_327, %get3A_328] {strides = array<i32>} : memref<32x256xf32, #tpu.memory_space<vmem>>, vector<1x16xf32>,
        %get3A_330 = vector.shape_cast %get3A_329 : vector<1x16xf32> to vector<16xf32>
        %sub3A_331 = arith.subf %get3A_330, %get3A_85 : vector<16xf32>
        %swap3A_332 = arith.index_cast %scan3A_236 : i32 to index
        %swap3A_333 = arith.constant 96 : index
        %swap3A_334 = tpu.vector_load %arg11[%swap3A_332, %swap3A_333] {strides = array<i32>} : memref<32x512xf32, #tpu.memory_space<vmem>>, vector<1x16xf32>,
        %swap3A_335 = vector.shape_cast %swap3A_334 : vector<1x16xf32> to vector<16xf32>
        %swap3A_336 = vector.shape_cast %sub3A_331 : vector<16xf32> to vector<1x16xf32>
        tpu.vector_store %arg11[%swap3A_332, %swap3A_333], %swap3A_336 {strides = array<i32>} : memref<32x512xf32, #tpu.memory_space<vmem>>, vector<1x16xf32>,
        %swap3A_337 = arith.index_cast %scan3A_236 : i32 to index
        %swap3A_338 = arith.constant 352 : index
        %swap3A_339 = tpu.vector_load %arg11[%swap3A_337, %swap3A_338] {strides = array<i32>} : memref<32x512xf32, #tpu.memory_space<vmem>>, vector<1x16xf32>,
        %swap3A_340 = vector.shape_cast %swap3A_339 : vector<1x16xf32> to vector<16xf32>
        %swap3A_341 = vector.shape_cast %get3A_85 : vector<16xf32> to vector<1x16xf32>
        tpu.vector_store %arg11[%swap3A_337, %swap3A_338], %swap3A_341 {strides = array<i32>} : memref<32x512xf32, #tpu.memory_space<vmem>>, vector<1x16xf32>,
        %get3A_342 = arith.index_cast %scan3A_236 : i32 to index
        %get3A_343 = arith.constant 112 : index
        %get3A_344 = tpu.vector_load %arg9[%get3A_342, %get3A_343] {strides = array<i32>} : memref<32x256xf32, #tpu.memory_space<vmem>>, vector<1x16xf32>,
        %get3A_345 = vector.shape_cast %get3A_344 : vector<1x16xf32> to vector<16xf32>
        %sub3A_346 = arith.subf %get3A_345, %get3A_89 : vector<16xf32>
        %swap3A_347 = arith.index_cast %scan3A_236 : i32 to index
        %swap3A_348 = arith.constant 112 : index
        %swap3A_349 = tpu.vector_load %arg11[%swap3A_347, %swap3A_348] {strides = array<i32>} : memref<32x512xf32, #tpu.memory_space<vmem>>, vector<1x16xf32>,
        %swap3A_350 = vector.shape_cast %swap3A_349 : vector<1x16xf32> to vector<16xf32>
        %swap3A_351 = vector.shape_cast %sub3A_346 : vector<16xf32> to vector<1x16xf32>
        tpu.vector_store %arg11[%swap3A_347, %swap3A_348], %swap3A_351 {strides = array<i32>} : memref<32x512xf32, #tpu.memory_space<vmem>>, vector<1x16xf32>,
        %swap3A_352 = arith.index_cast %scan3A_236 : i32 to index
        %swap3A_353 = arith.constant 368 : index
        %swap3A_354 = tpu.vector_load %arg11[%swap3A_352, %swap3A_353] {strides = array<i32>} : memref<32x512xf32, #tpu.memory_space<vmem>>, vector<1x16xf32>,
        %swap3A_355 = vector.shape_cast %swap3A_354 : vector<1x16xf32> to vector<16xf32>
        %swap3A_356 = vector.shape_cast %get3A_89 : vector<16xf32> to vector<1x16xf32>
        tpu.vector_store %arg11[%swap3A_352, %swap3A_353], %swap3A_356 {strides = array<i32>} : memref<32x512xf32, #tpu.memory_space<vmem>>, vector<1x16xf32>,
        %get3A_357 = arith.index_cast %scan3A_236 : i32 to index
        %get3A_358 = arith.constant 128 : index
        %get3A_359 = tpu.vector_load %arg9[%get3A_357, %get3A_358] {strides = array<i32>} : memref<32x256xf32, #tpu.memory_space<vmem>>, vector<1x16xf32>,
        %get3A_360 = vector.shape_cast %get3A_359 : vector<1x16xf32> to vector<16xf32>
        %sub3A_361 = arith.subf %get3A_360, %get3A_93 : vector<16xf32>
        %swap3A_362 = arith.index_cast %scan3A_236 : i32 to index
        %swap3A_363 = arith.constant 128 : index
        %swap3A_364 = tpu.vector_load %arg11[%swap3A_362, %swap3A_363] {strides = array<i32>} : memref<32x512xf32, #tpu.memory_space<vmem>>, vector<1x16xf32>,
        %swap3A_365 = vector.shape_cast %swap3A_364 : vector<1x16xf32> to vector<16xf32>
        %swap3A_366 = vector.shape_cast %sub3A_361 : vector<16xf32> to vector<1x16xf32>
        tpu.vector_store %arg11[%swap3A_362, %swap3A_363], %swap3A_366 {strides = array<i32>} : memref<32x512xf32, #tpu.memory_space<vmem>>, vector<1x16xf32>,
        %swap3A_367 = arith.index_cast %scan3A_236 : i32 to index
        %swap3A_368 = arith.constant 384 : index
        %swap3A_369 = tpu.vector_load %arg11[%swap3A_367, %swap3A_368] {strides = array<i32>} : memref<32x512xf32, #tpu.memory_space<vmem>>, vector<1x16xf32>,
        %swap3A_370 = vector.shape_cast %swap3A_369 : vector<1x16xf32> to vector<16xf32>
        %swap3A_371 = vector.shape_cast %get3A_93 : vector<16xf32> to vector<1x16xf32>
        tpu.vector_store %arg11[%swap3A_367, %swap3A_368], %swap3A_371 {strides = array<i32>} : memref<32x512xf32, #tpu.memory_space<vmem>>, vector<1x16xf32>,
        %get3A_372 = arith.index_cast %scan3A_236 : i32 to index
        %get3A_373 = arith.constant 144 : index
        %get3A_374 = tpu.vector_load %arg9[%get3A_372, %get3A_373] {strides = array<i32>} : memref<32x256xf32, #tpu.memory_space<vmem>>, vector<1x16xf32>,
        %get3A_375 = vector.shape_cast %get3A_374 : vector<1x16xf32> to vector<16xf32>
        %sub3A_376 = arith.subf %get3A_375, %get3A_97 : vector<16xf32>
        %swap3A_377 = arith.index_cast %scan3A_236 : i32 to index
        %swap3A_378 = arith.constant 144 : index
        %swap3A_379 = tpu.vector_load %arg11[%swap3A_377, %swap3A_378] {strides = array<i32>} : memref<32x512xf32, #tpu.memory_space<vmem>>, vector<1x16xf32>,
        %swap3A_380 = vector.shape_cast %swap3A_379 : vector<1x16xf32> to vector<16xf32>
        %swap3A_381 = vector.shape_cast %sub3A_376 : vector<16xf32> to vector<1x16xf32>
        tpu.vector_store %arg11[%swap3A_377, %swap3A_378], %swap3A_381 {strides = array<i32>} : memref<32x512xf32, #tpu.memory_space<vmem>>, vector<1x16xf32>,
        %swap3A_382 = arith.index_cast %scan3A_236 : i32 to index
        %swap3A_383 = arith.constant 400 : index
        %swap3A_384 = tpu.vector_load %arg11[%swap3A_382, %swap3A_383] {strides = array<i32>} : memref<32x512xf32, #tpu.memory_space<vmem>>, vector<1x16xf32>,
        %swap3A_385 = vector.shape_cast %swap3A_384 : vector<1x16xf32> to vector<16xf32>
        %swap3A_386 = vector.shape_cast %get3A_97 : vector<16xf32> to vector<1x16xf32>
        tpu.vector_store %arg11[%swap3A_382, %swap3A_383], %swap3A_386 {strides = array<i32>} : memref<32x512xf32, #tpu.memory_space<vmem>>, vector<1x16xf32>,
        %get3A_387 = arith.index_cast %scan3A_236 : i32 to index
        %get3A_388 = arith.constant 160 : index
        %get3A_389 = tpu.vector_load %arg9[%get3A_387, %get3A_388] {strides = array<i32>} : memref<32x256xf32, #tpu.memory_space<vmem>>, vector<1x16xf32>,
        %get3A_390 = vector.shape_cast %get3A_389 : vector<1x16xf32> to vector<16xf32>
        %sub3A_391 = arith.subf %get3A_390, %get3A_101 : vector<16xf32>
        %swap3A_392 = arith.index_cast %scan3A_236 : i32 to index
        %swap3A_393 = arith.constant 160 : index
        %swap3A_394 = tpu.vector_load %arg11[%swap3A_392, %swap3A_393] {strides = array<i32>} : memref<32x512xf32, #tpu.memory_space<vmem>>, vector<1x16xf32>,
        %swap3A_395 = vector.shape_cast %swap3A_394 : vector<1x16xf32> to vector<16xf32>
        %swap3A_396 = vector.shape_cast %sub3A_391 : vector<16xf32> to vector<1x16xf32>
        tpu.vector_store %arg11[%swap3A_392, %swap3A_393], %swap3A_396 {strides = array<i32>} : memref<32x512xf32, #tpu.memory_space<vmem>>, vector<1x16xf32>,
        %swap3A_397 = arith.index_cast %scan3A_236 : i32 to index
        %swap3A_398 = arith.constant 416 : index
        %swap3A_399 = tpu.vector_load %arg11[%swap3A_397, %swap3A_398] {strides = array<i32>} : memref<32x512xf32, #tpu.memory_space<vmem>>, vector<1x16xf32>,
        %swap3A_400 = vector.shape_cast %swap3A_399 : vector<1x16xf32> to vector<16xf32>
        %swap3A_401 = vector.shape_cast %get3A_101 : vector<16xf32> to vector<1x16xf32>
        tpu.vector_store %arg11[%swap3A_397, %swap3A_398], %swap3A_401 {strides = array<i32>} : memref<32x512xf32, #tpu.memory_space<vmem>>, vector<1x16xf32>,
        %get3A_402 = arith.index_cast %scan3A_236 : i32 to index
        %get3A_403 = arith.constant 176 : index
        %get3A_404 = tpu.vector_load %arg9[%get3A_402, %get3A_403] {strides = array<i32>} : memref<32x256xf32, #tpu.memory_space<vmem>>, vector<1x16xf32>,
        %get3A_405 = vector.shape_cast %get3A_404 : vector<1x16xf32> to vector<16xf32>
        %sub3A_406 = arith.subf %get3A_405, %get3A_105 : vector<16xf32>
        %swap3A_407 = arith.index_cast %scan3A_236 : i32 to index
        %swap3A_408 = arith.constant 176 : index
        %swap3A_409 = tpu.vector_load %arg11[%swap3A_407, %swap3A_408] {strides = array<i32>} : memref<32x512xf32, #tpu.memory_space<vmem>>, vector<1x16xf32>,
        %swap3A_410 = vector.shape_cast %swap3A_409 : vector<1x16xf32> to vector<16xf32>
        %swap3A_411 = vector.shape_cast %sub3A_406 : vector<16xf32> to vector<1x16xf32>
        tpu.vector_store %arg11[%swap3A_407, %swap3A_408], %swap3A_411 {strides = array<i32>} : memref<32x512xf32, #tpu.memory_space<vmem>>, vector<1x16xf32>,
        %swap3A_412 = arith.index_cast %scan3A_236 : i32 to index
        %swap3A_413 = arith.constant 432 : index
        %swap3A_414 = tpu.vector_load %arg11[%swap3A_412, %swap3A_413] {strides = array<i32>} : memref<32x512xf32, #tpu.memory_space<vmem>>, vector<1x16xf32>,
        %swap3A_415 = vector.shape_cast %swap3A_414 : vector<1x16xf32> to vector<16xf32>
        %swap3A_416 = vector.shape_cast %get3A_105 : vector<16xf32> to vector<1x16xf32>
        tpu.vector_store %arg11[%swap3A_412, %swap3A_413], %swap3A_416 {strides = array<i32>} : memref<32x512xf32, #tpu.memory_space<vmem>>, vector<1x16xf32>,
        %get3A_417 = arith.index_cast %scan3A_236 : i32 to index
        %get3A_418 = arith.constant 192 : index
        %get3A_419 = tpu.vector_load %arg9[%get3A_417, %get3A_418] {strides = array<i32>} : memref<32x256xf32, #tpu.memory_space<vmem>>, vector<1x16xf32>,
        %get3A_420 = vector.shape_cast %get3A_419 : vector<1x16xf32> to vector<16xf32>
        %sub3A_421 = arith.subf %get3A_420, %get3A_109 : vector<16xf32>
        %swap3A_422 = arith.index_cast %scan3A_236 : i32 to index
        %swap3A_423 = arith.constant 192 : index
        %swap3A_424 = tpu.vector_load %arg11[%swap3A_422, %swap3A_423] {strides = array<i32>} : memref<32x512xf32, #tpu.memory_space<vmem>>, vector<1x16xf32>,
        %swap3A_425 = vector.shape_cast %swap3A_424 : vector<1x16xf32> to vector<16xf32>
        %swap3A_426 = vector.shape_cast %sub3A_421 : vector<16xf32> to vector<1x16xf32>
        tpu.vector_store %arg11[%swap3A_422, %swap3A_423], %swap3A_426 {strides = array<i32>} : memref<32x512xf32, #tpu.memory_space<vmem>>, vector<1x16xf32>,
        %swap3A_427 = arith.index_cast %scan3A_236 : i32 to index
        %swap3A_428 = arith.constant 448 : index
        %swap3A_429 = tpu.vector_load %arg11[%swap3A_427, %swap3A_428] {strides = array<i32>} : memref<32x512xf32, #tpu.memory_space<vmem>>, vector<1x16xf32>,
        %swap3A_430 = vector.shape_cast %swap3A_429 : vector<1x16xf32> to vector<16xf32>
        %swap3A_431 = vector.shape_cast %get3A_109 : vector<16xf32> to vector<1x16xf32>
        tpu.vector_store %arg11[%swap3A_427, %swap3A_428], %swap3A_431 {strides = array<i32>} : memref<32x512xf32, #tpu.memory_space<vmem>>, vector<1x16xf32>,
        %get3A_432 = arith.index_cast %scan3A_236 : i32 to index
        %get3A_433 = arith.constant 208 : index
        %get3A_434 = tpu.vector_load %arg9[%get3A_432, %get3A_433] {strides = array<i32>} : memref<32x256xf32, #tpu.memory_space<vmem>>, vector<1x16xf32>,
        %get3A_435 = vector.shape_cast %get3A_434 : vector<1x16xf32> to vector<16xf32>
        %sub3A_436 = arith.subf %get3A_435, %get3A_113 : vector<16xf32>
        %swap3A_437 = arith.index_cast %scan3A_236 : i32 to index
        %swap3A_438 = arith.constant 208 : index
        %swap3A_439 = tpu.vector_load %arg11[%swap3A_437, %swap3A_438] {strides = array<i32>} : memref<32x512xf32, #tpu.memory_space<vmem>>, vector<1x16xf32>,
        %swap3A_440 = vector.shape_cast %swap3A_439 : vector<1x16xf32> to vector<16xf32>
        %swap3A_441 = vector.shape_cast %sub3A_436 : vector<16xf32> to vector<1x16xf32>
        tpu.vector_store %arg11[%swap3A_437, %swap3A_438], %swap3A_441 {strides = array<i32>} : memref<32x512xf32, #tpu.memory_space<vmem>>, vector<1x16xf32>,
        %swap3A_442 = arith.index_cast %scan3A_236 : i32 to index
        %swap3A_443 = arith.constant 464 : index
        %swap3A_444 = tpu.vector_load %arg11[%swap3A_442, %swap3A_443] {strides = array<i32>} : memref<32x512xf32, #tpu.memory_space<vmem>>, vector<1x16xf32>,
        %swap3A_445 = vector.shape_cast %swap3A_444 : vector<1x16xf32> to vector<16xf32>
        %swap3A_446 = vector.shape_cast %get3A_113 : vector<16xf32> to vector<1x16xf32>
        tpu.vector_store %arg11[%swap3A_442, %swap3A_443], %swap3A_446 {strides = array<i32>} : memref<32x512xf32, #tpu.memory_space<vmem>>, vector<1x16xf32>,
        %get3A_447 = arith.index_cast %scan3A_236 : i32 to index
        %get3A_448 = arith.constant 224 : index
        %get3A_449 = tpu.vector_load %arg9[%get3A_447, %get3A_448] {strides = array<i32>} : memref<32x256xf32, #tpu.memory_space<vmem>>, vector<1x16xf32>,
        %get3A_450 = vector.shape_cast %get3A_449 : vector<1x16xf32> to vector<16xf32>
        %sub3A_451 = arith.subf %get3A_450, %get3A_117 : vector<16xf32>
        %swap3A_452 = arith.index_cast %scan3A_236 : i32 to index
        %swap3A_453 = arith.constant 224 : index
        %swap3A_454 = tpu.vector_load %arg11[%swap3A_452, %swap3A_453] {strides = array<i32>} : memref<32x512xf32, #tpu.memory_space<vmem>>, vector<1x16xf32>,
        %swap3A_455 = vector.shape_cast %swap3A_454 : vector<1x16xf32> to vector<16xf32>
        %swap3A_456 = vector.shape_cast %sub3A_451 : vector<16xf32> to vector<1x16xf32>
        tpu.vector_store %arg11[%swap3A_452, %swap3A_453], %swap3A_456 {strides = array<i32>} : memref<32x512xf32, #tpu.memory_space<vmem>>, vector<1x16xf32>,
        %swap3A_457 = arith.index_cast %scan3A_236 : i32 to index
        %swap3A_458 = arith.constant 480 : index
        %swap3A_459 = tpu.vector_load %arg11[%swap3A_457, %swap3A_458] {strides = array<i32>} : memref<32x512xf32, #tpu.memory_space<vmem>>, vector<1x16xf32>,
        %swap3A_460 = vector.shape_cast %swap3A_459 : vector<1x16xf32> to vector<16xf32>
        %swap3A_461 = vector.shape_cast %get3A_117 : vector<16xf32> to vector<1x16xf32>
        tpu.vector_store %arg11[%swap3A_457, %swap3A_458], %swap3A_461 {strides = array<i32>} : memref<32x512xf32, #tpu.memory_space<vmem>>, vector<1x16xf32>,
        %get3A_462 = arith.index_cast %scan3A_236 : i32 to index
        %get3A_463 = arith.constant 240 : index
        %get3A_464 = tpu.vector_load %arg9[%get3A_462, %get3A_463] {strides = array<i32>} : memref<32x256xf32, #tpu.memory_space<vmem>>, vector<1x16xf32>,
        %get3A_465 = vector.shape_cast %get3A_464 : vector<1x16xf32> to vector<16xf32>
        %sub3A_466 = arith.subf %get3A_465, %get3A_121 : vector<16xf32>
        %swap3A_467 = arith.index_cast %scan3A_236 : i32 to index
        %swap3A_468 = arith.constant 240 : index
        %swap3A_469 = tpu.vector_load %arg11[%swap3A_467, %swap3A_468] {strides = array<i32>} : memref<32x512xf32, #tpu.memory_space<vmem>>, vector<1x16xf32>,
        %swap3A_470 = vector.shape_cast %swap3A_469 : vector<1x16xf32> to vector<16xf32>
        %swap3A_471 = vector.shape_cast %sub3A_466 : vector<16xf32> to vector<1x16xf32>
        tpu.vector_store %arg11[%swap3A_467, %swap3A_468], %swap3A_471 {strides = array<i32>} : memref<32x512xf32, #tpu.memory_space<vmem>>, vector<1x16xf32>,
        %swap3A_472 = arith.index_cast %scan3A_236 : i32 to index
        %swap3A_473 = arith.constant 496 : index
        %swap3A_474 = tpu.vector_load %arg11[%swap3A_472, %swap3A_473] {strides = array<i32>} : memref<32x512xf32, #tpu.memory_space<vmem>>, vector<1x16xf32>,
        %swap3A_475 = vector.shape_cast %swap3A_474 : vector<1x16xf32> to vector<16xf32>
        %swap3A_476 = vector.shape_cast %get3A_121 : vector<16xf32> to vector<1x16xf32>
        tpu.vector_store %arg11[%swap3A_472, %swap3A_473], %swap3A_476 {strides = array<i32>} : memref<32x512xf32, #tpu.memory_space<vmem>>, vector<1x16xf32>,
        %scan3A_477 = arith.constant 0 : i32
        scf.yield %scan3A_477 : i32
      }
      %scan3A_128 = arith.constant 32 : i32
      %add3A_129 = arith.addi %mul3A_2, %mul3A_42 : i32
      %mul3A_130 = arith.constant 32 : i32
      %mul3A_131 = arith.muli %add3A_129, %mul3A_130 : i32
      %dma_start3A_132 = arith.constant 0 : i32
      %dma_start3A_133 = tpu.memref_slice %arg5[%mul3A_131, %dma_start3A_132] : memref<65536x512xf32, #tpu.memory_space<hbm>> -> memref<32x512xf32, #tpu.memory_space<hbm>>
      %dma_start3A_134 = arith.constant 0 : i32
      %dma_start3A_135 = tpu.memref_slice %arg5[%mul3A_131, %dma_start3A_134] : memref<65536x512xf32, #tpu.memory_space<hbm>> -> memref<32x512xf32, #tpu.memory_space<hbm>>
      tpu.enqueue_dma source(%arg11 : memref<32x512xf32, #tpu.memory_space<vmem>>) target(%dma_start3A_135 : memref<32x512xf32, #tpu.memory_space<hbm>>) target_semaphore(%arg15 : memref<!tpu.dma_semaphore, #tpu.memory_space<semaphore_mem>>)
      %add3A_136 = arith.constant 1 : i32
      %add3A_137 = arith.addi %mul3A_42, %add3A_136 : i32
      %dma_wait3A_138 = arith.constant 0 : i32
      %dma_wait3A_139 = tpu.memref_slice %arg8[%add3A_137, %dma_wait3A_138] : memref<64x32xi32, #tpu.memory_space<vmem>> -> memref<1x32xi32, #tpu.memory_space<vmem>>
      %dma_wait3A_140 = tpu.memref_squeeze %dma_wait3A_139 : memref<1x32xi32, #tpu.memory_space<vmem>> -> memref<32xi32, #tpu.memory_space<vmem>>
      %dma_wait3A_141 = arith.constant 0 : i32
      %dma_wait3A_142 = arith.constant 0 : i32
      %dma_wait3A_143 = tpu.memref_slice %arg2[%dma_wait3A_141, %dma_wait3A_142] : memref<8192x256xf32, #tpu.memory_space<hbm>> -> memref<8192x256xf32, #tpu.memory_space<hbm>>
      tpu.wait_indirect_dma semaphore(%arg14 : memref<!tpu.dma_semaphore, #tpu.memory_space<semaphore_mem>>) src(%dma_wait3A_143 : memref<8192x256xf32, #tpu.memory_space<hbm>>) dst(%arg10 : memref<32x256xf32, #tpu.memory_space<vmem>>)
      %lt3A = arith.constant 62 : i32
      %lt3A_144 = arith.cmpi slt, %mul3A_42, %lt3A : i32
      %convert_element_type3A_145 = arith.extui %lt3A_144 : i1 to i32
      %cond3A_146 = arith.constant 0 : i32
      %cond3A_147 = arith.cmpi ne, %convert_element_type3A_145, %cond3A_146 : i32
      scf.if %cond3A_147 {
        %add3A_236 = arith.constant 2 : i32
        %add3A_237 = arith.addi %mul3A_42, %add3A_236 : i32
        %dma_start3A_238 = arith.constant 0 : i32
        %dma_start3A_239 = tpu.memref_slice %arg8[%add3A_237, %dma_start3A_238] : memref<64x32xi32, #tpu.memory_space<vmem>> -> memref<1x32xi32, #tpu.memory_space<vmem>>
        %dma_start3A_240 = tpu.memref_squeeze %dma_start3A_239 : memref<1x32xi32, #tpu.memory_space<vmem>> -> memref<32xi32, #tpu.memory_space<vmem>>
        %dma_start3A_241 = arith.constant 0 : i32
        %dma_start3A_242 = arith.constant 0 : i32
        %dma_start3A_243 = tpu.memref_slice %arg2[%dma_start3A_241, %dma_start3A_242] : memref<8192x256xf32, #tpu.memory_space<hbm>> -> memref<8192x256xf32, #tpu.memory_space<hbm>>
        tpu.enqueue_indirect_dma source(%dma_start3A_243 : memref<8192x256xf32, #tpu.memory_space<hbm>>) target(%arg9 : memref<32x256xf32, #tpu.memory_space<vmem>>) offsets(%dma_start3A_240 : memref<32xi32, #tpu.memory_space<vmem>>) semaphore(%arg13 : memref<!tpu.dma_semaphore, #tpu.memory_space<semaphore_mem>>)
      } else {
      }
      %gt3A_148 = arith.constant 0 : i32
      %gt3A_149 = arith.cmpi sgt, %mul3A_42, %gt3A_148 : i32
      %convert_element_type3A_150 = arith.extui %gt3A_149 : i1 to i32
      %cond3A_151 = arith.constant 0 : i32
      %cond3A_152 = arith.cmpi ne, %convert_element_type3A_150, %cond3A_151 : i32
      scf.if %cond3A_152 {
        %add3A_236 = arith.addi %mul3A_2, %mul3A_42 : i32
        %sub3A_237 = arith.constant 1 : i32
        %sub3A_238 = arith.subi %add3A_236, %sub3A_237 : i32
        %mul3A_239 = arith.constant 32 : i32
        %mul3A_240 = arith.muli %sub3A_238, %mul3A_239 : i32
        %dma_wait3A_241 = arith.constant 0 : i32
        %dma_wait3A_242 = tpu.memref_slice %arg5[%mul3A_240, %dma_wait3A_241] : memref<65536x512xf32, #tpu.memory_space<hbm>> -> memref<32x512xf32, #tpu.memory_space<hbm>>
        %dma_wait3A_243 = arith.constant 0 : i32
        %dma_wait3A_244 = tpu.memref_slice %arg5[%mul3A_240, %dma_wait3A_243] : memref<65536x512xf32, #tpu.memory_space<hbm>> -> memref<32x512xf32, #tpu.memory_space<hbm>>
        tpu.wait_dma2 semaphore(%arg16 : memref<!tpu.dma_semaphore, #tpu.memory_space<semaphore_mem>>) src(%arg12 : memref<32x512xf32, #tpu.memory_space<vmem>>) dst(%dma_wait3A_244 : memref<32x512xf32, #tpu.memory_space<hbm>>)
      } else {
      }
      %add3A_153 = arith.constant 1 : i32
      %add3A_154 = arith.addi %mul3A_42, %add3A_153 : i32
      %get3A_155 = arith.index_cast %add3A_154 : i32 to index
      %get3A_156 = arith.constant 0 : index
      %get3A_157 = tpu.vector_load %arg7[%get3A_155, %get3A_156] {strides = array<i32>} : memref<64x256xf32, #tpu.memory_space<vmem>>, vector<1x16xf32>,
      %get3A_158 = vector.shape_cast %get3A_157 : vector<1x16xf32> to vector<16xf32>
      %get3A_159 = arith.index_cast %add3A_154 : i32 to index
      %get3A_160 = arith.constant 16 : index
      %get3A_161 = tpu.vector_load %arg7[%get3A_159, %get3A_160] {strides = array<i32>} : memref<64x256xf32, #tpu.memory_space<vmem>>, vector<1x16xf32>,
      %get3A_162 = vector.shape_cast %get3A_161 : vector<1x16xf32> to vector<16xf32>
      %get3A_163 = arith.index_cast %add3A_154 : i32 to index
      %get3A_164 = arith.constant 32 : index
      %get3A_165 = tpu.vector_load %arg7[%get3A_163, %get3A_164] {strides = array<i32>} : memref<64x256xf32, #tpu.memory_space<vmem>>, vector<1x16xf32>,
      %get3A_166 = vector.shape_cast %get3A_165 : vector<1x16xf32> to vector<16xf32>
      %get3A_167 = arith.index_cast %add3A_154 : i32 to index
      %get3A_168 = arith.constant 48 : index
      %get3A_169 = tpu.vector_load %arg7[%get3A_167, %get3A_168] {strides = array<i32>} : memref<64x256xf32, #tpu.memory_space<vmem>>, vector<1x16xf32>,
      %get3A_170 = vector.shape_cast %get3A_169 : vector<1x16xf32> to vector<16xf32>
      %get3A_171 = arith.index_cast %add3A_154 : i32 to index
      %get3A_172 = arith.constant 64 : index
      %get3A_173 = tpu.vector_load %arg7[%get3A_171, %get3A_172] {strides = array<i32>} : memref<64x256xf32, #tpu.memory_space<vmem>>, vector<1x16xf32>,
      %get3A_174 = vector.shape_cast %get3A_173 : vector<1x16xf32> to vector<16xf32>
      %get3A_175 = arith.index_cast %add3A_154 : i32 to index
      %get3A_176 = arith.constant 80 : index
      %get3A_177 = tpu.vector_load %arg7[%get3A_175, %get3A_176] {strides = array<i32>} : memref<64x256xf32, #tpu.memory_space<vmem>>, vector<1x16xf32>,
      %get3A_178 = vector.shape_cast %get3A_177 : vector<1x16xf32> to vector<16xf32>
      %get3A_179 = arith.index_cast %add3A_154 : i32 to index
      %get3A_180 = arith.constant 96 : index
      %get3A_181 = tpu.vector_load %arg7[%get3A_179, %get3A_180] {strides = array<i32>} : memref<64x256xf32, #tpu.memory_space<vmem>>, vector<1x16xf32>,
      %get3A_182 = vector.shape_cast %get3A_181 : vector<1x16xf32> to vector<16xf32>
      %get3A_183 = arith.index_cast %add3A_154 : i32 to index
      %get3A_184 = arith.constant 112 : index
      %get3A_185 = tpu.vector_load %arg7[%get3A_183, %get3A_184] {strides = array<i32>} : memref<64x256xf32, #tpu.memory_space<vmem>>, vector<1x16xf32>,
      %get3A_186 = vector.shape_cast %get3A_185 : vector<1x16xf32> to vector<16xf32>
      %get3A_187 = arith.index_cast %add3A_154 : i32 to index
      %get3A_188 = arith.constant 128 : index
      %get3A_189 = tpu.vector_load %arg7[%get3A_187, %get3A_188] {strides = array<i32>} : memref<64x256xf32, #tpu.memory_space<vmem>>, vector<1x16xf32>,
      %get3A_190 = vector.shape_cast %get3A_189 : vector<1x16xf32> to vector<16xf32>
      %get3A_191 = arith.index_cast %add3A_154 : i32 to index
      %get3A_192 = arith.constant 144 : index
      %get3A_193 = tpu.vector_load %arg7[%get3A_191, %get3A_192] {strides = array<i32>} : memref<64x256xf32, #tpu.memory_space<vmem>>, vector<1x16xf32>,
      %get3A_194 = vector.shape_cast %get3A_193 : vector<1x16xf32> to vector<16xf32>
      %get3A_195 = arith.index_cast %add3A_154 : i32 to index
      %get3A_196 = arith.constant 160 : index
      %get3A_197 = tpu.vector_load %arg7[%get3A_195, %get3A_196] {strides = array<i32>} : memref<64x256xf32, #tpu.memory_space<vmem>>, vector<1x16xf32>,
      %get3A_198 = vector.shape_cast %get3A_197 : vector<1x16xf32> to vector<16xf32>
      %get3A_199 = arith.index_cast %add3A_154 : i32 to index
      %get3A_200 = arith.constant 176 : index
      %get3A_201 = tpu.vector_load %arg7[%get3A_199, %get3A_200] {strides = array<i32>} : memref<64x256xf32, #tpu.memory_space<vmem>>, vector<1x16xf32>,
      %get3A_202 = vector.shape_cast %get3A_201 : vector<1x16xf32> to vector<16xf32>
      %get3A_203 = arith.index_cast %add3A_154 : i32 to index
      %get3A_204 = arith.constant 192 : index
      %get3A_205 = tpu.vector_load %arg7[%get3A_203, %get3A_204] {strides = array<i32>} : memref<64x256xf32, #tpu.memory_space<vmem>>, vector<1x16xf32>,
      %get3A_206 = vector.shape_cast %get3A_205 : vector<1x16xf32> to vector<16xf32>
      %get3A_207 = arith.index_cast %add3A_154 : i32 to index
      %get3A_208 = arith.constant 208 : index
      %get3A_209 = tpu.vector_load %arg7[%get3A_207, %get3A_208] {strides = array<i32>} : memref<64x256xf32, #tpu.memory_space<vmem>>, vector<1x16xf32>,
      %get3A_210 = vector.shape_cast %get3A_209 : vector<1x16xf32> to vector<16xf32>
      %get3A_211 = arith.index_cast %add3A_154 : i32 to index
      %get3A_212 = arith.constant 224 : index
      %get3A_213 = tpu.vector_load %arg7[%get3A_211, %get3A_212] {strides = array<i32>} : memref<64x256xf32, #tpu.memory_space<vmem>>, vector<1x16xf32>,
      %get3A_214 = vector.shape_cast %get3A_213 : vector<1x16xf32> to vector<16xf32>
      %get3A_215 = arith.index_cast %add3A_154 : i32 to index
      %get3A_216 = arith.constant 240 : index
      %get3A_217 = tpu.vector_load %arg7[%get3A_215, %get3A_216] {strides = array<i32>} : memref<64x256xf32, #tpu.memory_space<vmem>>, vector<1x16xf32>,
      %get3A_218 = vector.shape_cast %get3A_217 : vector<1x16xf32> to vector<16xf32>
      %scan3A_219 = arith.constant 0 : i32
      %scan3A_220 = arith.constant 0 : i32
      %scan3A_221 = arith.constant 32 : i32
      %scan3A_222 = arith.addi %scan3A_220, %scan3A_221 : i32
      %scan3A_223 = arith.constant 1 : i32
      %scan3A_224 = scf.for %scan3A_236 = %scan3A_220 to %scan3A_222 step %scan3A_223 iter_args(%scan3A_237 = %scan3A_219) -> (i32)  : i32 {
        %get3A_238 = arith.index_cast %scan3A_236 : i32 to index
        %get3A_239 = arith.constant 0 : index
        %get3A_240 = tpu.vector_load %arg10[%get3A_238, %get3A_239] {strides = array<i32>} : memref<32x256xf32, #tpu.memory_space<vmem>>, vector<1x16xf32>,
        %get3A_241 = vector.shape_cast %get3A_240 : vector<1x16xf32> to vector<16xf32>
        %sub3A_242 = arith.subf %get3A_241, %get3A_158 : vector<16xf32>
        %swap3A = arith.index_cast %scan3A_236 : i32 to index
        %swap3A_243 = arith.constant 0 : index
        %swap3A_244 = tpu.vector_load %arg12[%swap3A, %swap3A_243] {strides = array<i32>} : memref<32x512xf32, #tpu.memory_space<vmem>>, vector<1x16xf32>,
        %swap3A_245 = vector.shape_cast %swap3A_244 : vector<1x16xf32> to vector<16xf32>
        %swap3A_246 = vector.shape_cast %sub3A_242 : vector<16xf32> to vector<1x16xf32>
        tpu.vector_store %arg12[%swap3A, %swap3A_243], %swap3A_246 {strides = array<i32>} : memref<32x512xf32, #tpu.memory_space<vmem>>, vector<1x16xf32>,
        %swap3A_247 = arith.index_cast %scan3A_236 : i32 to index
        %swap3A_248 = arith.constant 256 : index
        %swap3A_249 = tpu.vector_load %arg12[%swap3A_247, %swap3A_248] {strides = array<i32>} : memref<32x512xf32, #tpu.memory_space<vmem>>, vector<1x16xf32>,
        %swap3A_250 = vector.shape_cast %swap3A_249 : vector<1x16xf32> to vector<16xf32>
        %swap3A_251 = vector.shape_cast %get3A_158 : vector<16xf32> to vector<1x16xf32>
        tpu.vector_store %arg12[%swap3A_247, %swap3A_248], %swap3A_251 {strides = array<i32>} : memref<32x512xf32, #tpu.memory_space<vmem>>, vector<1x16xf32>,
        %get3A_252 = arith.index_cast %scan3A_236 : i32 to index
        %get3A_253 = arith.constant 16 : index
        %get3A_254 = tpu.vector_load %arg10[%get3A_252, %get3A_253] {strides = array<i32>} : memref<32x256xf32, #tpu.memory_space<vmem>>, vector<1x16xf32>,
        %get3A_255 = vector.shape_cast %get3A_254 : vector<1x16xf32> to vector<16xf32>
        %sub3A_256 = arith.subf %get3A_255, %get3A_162 : vector<16xf32>
        %swap3A_257 = arith.index_cast %scan3A_236 : i32 to index
        %swap3A_258 = arith.constant 16 : index
        %swap3A_259 = tpu.vector_load %arg12[%swap3A_257, %swap3A_258] {strides = array<i32>} : memref<32x512xf32, #tpu.memory_space<vmem>>, vector<1x16xf32>,
        %swap3A_260 = vector.shape_cast %swap3A_259 : vector<1x16xf32> to vector<16xf32>
        %swap3A_261 = vector.shape_cast %sub3A_256 : vector<16xf32> to vector<1x16xf32>
        tpu.vector_store %arg12[%swap3A_257, %swap3A_258], %swap3A_261 {strides = array<i32>} : memref<32x512xf32, #tpu.memory_space<vmem>>, vector<1x16xf32>,
        %swap3A_262 = arith.index_cast %scan3A_236 : i32 to index
        %swap3A_263 = arith.constant 272 : index
        %swap3A_264 = tpu.vector_load %arg12[%swap3A_262, %swap3A_263] {strides = array<i32>} : memref<32x512xf32, #tpu.memory_space<vmem>>, vector<1x16xf32>,
        %swap3A_265 = vector.shape_cast %swap3A_264 : vector<1x16xf32> to vector<16xf32>
        %swap3A_266 = vector.shape_cast %get3A_162 : vector<16xf32> to vector<1x16xf32>
        tpu.vector_store %arg12[%swap3A_262, %swap3A_263], %swap3A_266 {strides = array<i32>} : memref<32x512xf32, #tpu.memory_space<vmem>>, vector<1x16xf32>,
        %get3A_267 = arith.index_cast %scan3A_236 : i32 to index
        %get3A_268 = arith.constant 32 : index
        %get3A_269 = tpu.vector_load %arg10[%get3A_267, %get3A_268] {strides = array<i32>} : memref<32x256xf32, #tpu.memory_space<vmem>>, vector<1x16xf32>,
        %get3A_270 = vector.shape_cast %get3A_269 : vector<1x16xf32> to vector<16xf32>
        %sub3A_271 = arith.subf %get3A_270, %get3A_166 : vector<16xf32>
        %swap3A_272 = arith.index_cast %scan3A_236 : i32 to index
        %swap3A_273 = arith.constant 32 : index
        %swap3A_274 = tpu.vector_load %arg12[%swap3A_272, %swap3A_273] {strides = array<i32>} : memref<32x512xf32, #tpu.memory_space<vmem>>, vector<1x16xf32>,
        %swap3A_275 = vector.shape_cast %swap3A_274 : vector<1x16xf32> to vector<16xf32>
        %swap3A_276 = vector.shape_cast %sub3A_271 : vector<16xf32> to vector<1x16xf32>
        tpu.vector_store %arg12[%swap3A_272, %swap3A_273], %swap3A_276 {strides = array<i32>} : memref<32x512xf32, #tpu.memory_space<vmem>>, vector<1x16xf32>,
        %swap3A_277 = arith.index_cast %scan3A_236 : i32 to index
        %swap3A_278 = arith.constant 288 : index
        %swap3A_279 = tpu.vector_load %arg12[%swap3A_277, %swap3A_278] {strides = array<i32>} : memref<32x512xf32, #tpu.memory_space<vmem>>, vector<1x16xf32>,
        %swap3A_280 = vector.shape_cast %swap3A_279 : vector<1x16xf32> to vector<16xf32>
        %swap3A_281 = vector.shape_cast %get3A_166 : vector<16xf32> to vector<1x16xf32>
        tpu.vector_store %arg12[%swap3A_277, %swap3A_278], %swap3A_281 {strides = array<i32>} : memref<32x512xf32, #tpu.memory_space<vmem>>, vector<1x16xf32>,
        %get3A_282 = arith.index_cast %scan3A_236 : i32 to index
        %get3A_283 = arith.constant 48 : index
        %get3A_284 = tpu.vector_load %arg10[%get3A_282, %get3A_283] {strides = array<i32>} : memref<32x256xf32, #tpu.memory_space<vmem>>, vector<1x16xf32>,
        %get3A_285 = vector.shape_cast %get3A_284 : vector<1x16xf32> to vector<16xf32>
        %sub3A_286 = arith.subf %get3A_285, %get3A_170 : vector<16xf32>
        %swap3A_287 = arith.index_cast %scan3A_236 : i32 to index
        %swap3A_288 = arith.constant 48 : index
        %swap3A_289 = tpu.vector_load %arg12[%swap3A_287, %swap3A_288] {strides = array<i32>} : memref<32x512xf32, #tpu.memory_space<vmem>>, vector<1x16xf32>,
        %swap3A_290 = vector.shape_cast %swap3A_289 : vector<1x16xf32> to vector<16xf32>
        %swap3A_291 = vector.shape_cast %sub3A_286 : vector<16xf32> to vector<1x16xf32>
        tpu.vector_store %arg12[%swap3A_287, %swap3A_288], %swap3A_291 {strides = array<i32>} : memref<32x512xf32, #tpu.memory_space<vmem>>, vector<1x16xf32>,
        %swap3A_292 = arith.index_cast %scan3A_236 : i32 to index
        %swap3A_293 = arith.constant 304 : index
        %swap3A_294 = tpu.vector_load %arg12[%swap3A_292, %swap3A_293] {strides = array<i32>} : memref<32x512xf32, #tpu.memory_space<vmem>>, vector<1x16xf32>,
        %swap3A_295 = vector.shape_cast %swap3A_294 : vector<1x16xf32> to vector<16xf32>
        %swap3A_296 = vector.shape_cast %get3A_170 : vector<16xf32> to vector<1x16xf32>
        tpu.vector_store %arg12[%swap3A_292, %swap3A_293], %swap3A_296 {strides = array<i32>} : memref<32x512xf32, #tpu.memory_space<vmem>>, vector<1x16xf32>,
        %get3A_297 = arith.index_cast %scan3A_236 : i32 to index
        %get3A_298 = arith.constant 64 : index
        %get3A_299 = tpu.vector_load %arg10[%get3A_297, %get3A_298] {strides = array<i32>} : memref<32x256xf32, #tpu.memory_space<vmem>>, vector<1x16xf32>,
        %get3A_300 = vector.shape_cast %get3A_299 : vector<1x16xf32> to vector<16xf32>
        %sub3A_301 = arith.subf %get3A_300, %get3A_174 : vector<16xf32>
        %swap3A_302 = arith.index_cast %scan3A_236 : i32 to index
        %swap3A_303 = arith.constant 64 : index
        %swap3A_304 = tpu.vector_load %arg12[%swap3A_302, %swap3A_303] {strides = array<i32>} : memref<32x512xf32, #tpu.memory_space<vmem>>, vector<1x16xf32>,
        %swap3A_305 = vector.shape_cast %swap3A_304 : vector<1x16xf32> to vector<16xf32>
        %swap3A_306 = vector.shape_cast %sub3A_301 : vector<16xf32> to vector<1x16xf32>
        tpu.vector_store %arg12[%swap3A_302, %swap3A_303], %swap3A_306 {strides = array<i32>} : memref<32x512xf32, #tpu.memory_space<vmem>>, vector<1x16xf32>,
        %swap3A_307 = arith.index_cast %scan3A_236 : i32 to index
        %swap3A_308 = arith.constant 320 : index
        %swap3A_309 = tpu.vector_load %arg12[%swap3A_307, %swap3A_308] {strides = array<i32>} : memref<32x512xf32, #tpu.memory_space<vmem>>, vector<1x16xf32>,
        %swap3A_310 = vector.shape_cast %swap3A_309 : vector<1x16xf32> to vector<16xf32>
        %swap3A_311 = vector.shape_cast %get3A_174 : vector<16xf32> to vector<1x16xf32>
        tpu.vector_store %arg12[%swap3A_307, %swap3A_308], %swap3A_311 {strides = array<i32>} : memref<32x512xf32, #tpu.memory_space<vmem>>, vector<1x16xf32>,
        %get3A_312 = arith.index_cast %scan3A_236 : i32 to index
        %get3A_313 = arith.constant 80 : index
        %get3A_314 = tpu.vector_load %arg10[%get3A_312, %get3A_313] {strides = array<i32>} : memref<32x256xf32, #tpu.memory_space<vmem>>, vector<1x16xf32>,
        %get3A_315 = vector.shape_cast %get3A_314 : vector<1x16xf32> to vector<16xf32>
        %sub3A_316 = arith.subf %get3A_315, %get3A_178 : vector<16xf32>
        %swap3A_317 = arith.index_cast %scan3A_236 : i32 to index
        %swap3A_318 = arith.constant 80 : index
        %swap3A_319 = tpu.vector_load %arg12[%swap3A_317, %swap3A_318] {strides = array<i32>} : memref<32x512xf32, #tpu.memory_space<vmem>>, vector<1x16xf32>,
        %swap3A_320 = vector.shape_cast %swap3A_319 : vector<1x16xf32> to vector<16xf32>
        %swap3A_321 = vector.shape_cast %sub3A_316 : vector<16xf32> to vector<1x16xf32>
        tpu.vector_store %arg12[%swap3A_317, %swap3A_318], %swap3A_321 {strides = array<i32>} : memref<32x512xf32, #tpu.memory_space<vmem>>, vector<1x16xf32>,
        %swap3A_322 = arith.index_cast %scan3A_236 : i32 to index
        %swap3A_323 = arith.constant 336 : index
        %swap3A_324 = tpu.vector_load %arg12[%swap3A_322, %swap3A_323] {strides = array<i32>} : memref<32x512xf32, #tpu.memory_space<vmem>>, vector<1x16xf32>,
        %swap3A_325 = vector.shape_cast %swap3A_324 : vector<1x16xf32> to vector<16xf32>
        %swap3A_326 = vector.shape_cast %get3A_178 : vector<16xf32> to vector<1x16xf32>
        tpu.vector_store %arg12[%swap3A_322, %swap3A_323], %swap3A_326 {strides = array<i32>} : memref<32x512xf32, #tpu.memory_space<vmem>>, vector<1x16xf32>,
        %get3A_327 = arith.index_cast %scan3A_236 : i32 to index
        %get3A_328 = arith.constant 96 : index
        %get3A_329 = tpu.vector_load %arg10[%get3A_327, %get3A_328] {strides = array<i32>} : memref<32x256xf32, #tpu.memory_space<vmem>>, vector<1x16xf32>,
        %get3A_330 = vector.shape_cast %get3A_329 : vector<1x16xf32> to vector<16xf32>
        %sub3A_331 = arith.subf %get3A_330, %get3A_182 : vector<16xf32>
        %swap3A_332 = arith.index_cast %scan3A_236 : i32 to index
        %swap3A_333 = arith.constant 96 : index
        %swap3A_334 = tpu.vector_load %arg12[%swap3A_332, %swap3A_333] {strides = array<i32>} : memref<32x512xf32, #tpu.memory_space<vmem>>, vector<1x16xf32>,
        %swap3A_335 = vector.shape_cast %swap3A_334 : vector<1x16xf32> to vector<16xf32>
        %swap3A_336 = vector.shape_cast %sub3A_331 : vector<16xf32> to vector<1x16xf32>
        tpu.vector_store %arg12[%swap3A_332, %swap3A_333], %swap3A_336 {strides = array<i32>} : memref<32x512xf32, #tpu.memory_space<vmem>>, vector<1x16xf32>,
        %swap3A_337 = arith.index_cast %scan3A_236 : i32 to index
        %swap3A_338 = arith.constant 352 : index
        %swap3A_339 = tpu.vector_load %arg12[%swap3A_337, %swap3A_338] {strides = array<i32>} : memref<32x512xf32, #tpu.memory_space<vmem>>, vector<1x16xf32>,
        %swap3A_340 = vector.shape_cast %swap3A_339 : vector<1x16xf32> to vector<16xf32>
        %swap3A_341 = vector.shape_cast %get3A_182 : vector<16xf32> to vector<1x16xf32>
        tpu.vector_store %arg12[%swap3A_337, %swap3A_338], %swap3A_341 {strides = array<i32>} : memref<32x512xf32, #tpu.memory_space<vmem>>, vector<1x16xf32>,
        %get3A_342 = arith.index_cast %scan3A_236 : i32 to index
        %get3A_343 = arith.constant 112 : index
        %get3A_344 = tpu.vector_load %arg10[%get3A_342, %get3A_343] {strides = array<i32>} : memref<32x256xf32, #tpu.memory_space<vmem>>, vector<1x16xf32>,
        %get3A_345 = vector.shape_cast %get3A_344 : vector<1x16xf32> to vector<16xf32>
        %sub3A_346 = arith.subf %get3A_345, %get3A_186 : vector<16xf32>
        %swap3A_347 = arith.index_cast %scan3A_236 : i32 to index
        %swap3A_348 = arith.constant 112 : index
        %swap3A_349 = tpu.vector_load %arg12[%swap3A_347, %swap3A_348] {strides = array<i32>} : memref<32x512xf32, #tpu.memory_space<vmem>>, vector<1x16xf32>,
        %swap3A_350 = vector.shape_cast %swap3A_349 : vector<1x16xf32> to vector<16xf32>
        %swap3A_351 = vector.shape_cast %sub3A_346 : vector<16xf32> to vector<1x16xf32>
        tpu.vector_store %arg12[%swap3A_347, %swap3A_348], %swap3A_351 {strides = array<i32>} : memref<32x512xf32, #tpu.memory_space<vmem>>, vector<1x16xf32>,
        %swap3A_352 = arith.index_cast %scan3A_236 : i32 to index
        %swap3A_353 = arith.constant 368 : index
        %swap3A_354 = tpu.vector_load %arg12[%swap3A_352, %swap3A_353] {strides = array<i32>} : memref<32x512xf32, #tpu.memory_space<vmem>>, vector<1x16xf32>,
        %swap3A_355 = vector.shape_cast %swap3A_354 : vector<1x16xf32> to vector<16xf32>
        %swap3A_356 = vector.shape_cast %get3A_186 : vector<16xf32> to vector<1x16xf32>
        tpu.vector_store %arg12[%swap3A_352, %swap3A_353], %swap3A_356 {strides = array<i32>} : memref<32x512xf32, #tpu.memory_space<vmem>>, vector<1x16xf32>,
        %get3A_357 = arith.index_cast %scan3A_236 : i32 to index
        %get3A_358 = arith.constant 128 : index
        %get3A_359 = tpu.vector_load %arg10[%get3A_357, %get3A_358] {strides = array<i32>} : memref<32x256xf32, #tpu.memory_space<vmem>>, vector<1x16xf32>,
        %get3A_360 = vector.shape_cast %get3A_359 : vector<1x16xf32> to vector<16xf32>
        %sub3A_361 = arith.subf %get3A_360, %get3A_190 : vector<16xf32>
        %swap3A_362 = arith.index_cast %scan3A_236 : i32 to index
        %swap3A_363 = arith.constant 128 : index
        %swap3A_364 = tpu.vector_load %arg12[%swap3A_362, %swap3A_363] {strides = array<i32>} : memref<32x512xf32, #tpu.memory_space<vmem>>, vector<1x16xf32>,
        %swap3A_365 = vector.shape_cast %swap3A_364 : vector<1x16xf32> to vector<16xf32>
        %swap3A_366 = vector.shape_cast %sub3A_361 : vector<16xf32> to vector<1x16xf32>
        tpu.vector_store %arg12[%swap3A_362, %swap3A_363], %swap3A_366 {strides = array<i32>} : memref<32x512xf32, #tpu.memory_space<vmem>>, vector<1x16xf32>,
        %swap3A_367 = arith.index_cast %scan3A_236 : i32 to index
        %swap3A_368 = arith.constant 384 : index
        %swap3A_369 = tpu.vector_load %arg12[%swap3A_367, %swap3A_368] {strides = array<i32>} : memref<32x512xf32, #tpu.memory_space<vmem>>, vector<1x16xf32>,
        %swap3A_370 = vector.shape_cast %swap3A_369 : vector<1x16xf32> to vector<16xf32>
        %swap3A_371 = vector.shape_cast %get3A_190 : vector<16xf32> to vector<1x16xf32>
        tpu.vector_store %arg12[%swap3A_367, %swap3A_368], %swap3A_371 {strides = array<i32>} : memref<32x512xf32, #tpu.memory_space<vmem>>, vector<1x16xf32>,
        %get3A_372 = arith.index_cast %scan3A_236 : i32 to index
        %get3A_373 = arith.constant 144 : index
        %get3A_374 = tpu.vector_load %arg10[%get3A_372, %get3A_373] {strides = array<i32>} : memref<32x256xf32, #tpu.memory_space<vmem>>, vector<1x16xf32>,
        %get3A_375 = vector.shape_cast %get3A_374 : vector<1x16xf32> to vector<16xf32>
        %sub3A_376 = arith.subf %get3A_375, %get3A_194 : vector<16xf32>
        %swap3A_377 = arith.index_cast %scan3A_236 : i32 to index
        %swap3A_378 = arith.constant 144 : index
        %swap3A_379 = tpu.vector_load %arg12[%swap3A_377, %swap3A_378] {strides = array<i32>} : memref<32x512xf32, #tpu.memory_space<vmem>>, vector<1x16xf32>,
        %swap3A_380 = vector.shape_cast %swap3A_379 : vector<1x16xf32> to vector<16xf32>
        %swap3A_381 = vector.shape_cast %sub3A_376 : vector<16xf32> to vector<1x16xf32>
        tpu.vector_store %arg12[%swap3A_377, %swap3A_378], %swap3A_381 {strides = array<i32>} : memref<32x512xf32, #tpu.memory_space<vmem>>, vector<1x16xf32>,
        %swap3A_382 = arith.index_cast %scan3A_236 : i32 to index
        %swap3A_383 = arith.constant 400 : index
        %swap3A_384 = tpu.vector_load %arg12[%swap3A_382, %swap3A_383] {strides = array<i32>} : memref<32x512xf32, #tpu.memory_space<vmem>>, vector<1x16xf32>,
        %swap3A_385 = vector.shape_cast %swap3A_384 : vector<1x16xf32> to vector<16xf32>
        %swap3A_386 = vector.shape_cast %get3A_194 : vector<16xf32> to vector<1x16xf32>
        tpu.vector_store %arg12[%swap3A_382, %swap3A_383], %swap3A_386 {strides = array<i32>} : memref<32x512xf32, #tpu.memory_space<vmem>>, vector<1x16xf32>,
        %get3A_387 = arith.index_cast %scan3A_236 : i32 to index
        %get3A_388 = arith.constant 160 : index
        %get3A_389 = tpu.vector_load %arg10[%get3A_387, %get3A_388] {strides = array<i32>} : memref<32x256xf32, #tpu.memory_space<vmem>>, vector<1x16xf32>,
        %get3A_390 = vector.shape_cast %get3A_389 : vector<1x16xf32> to vector<16xf32>
        %sub3A_391 = arith.subf %get3A_390, %get3A_198 : vector<16xf32>
        %swap3A_392 = arith.index_cast %scan3A_236 : i32 to index
        %swap3A_393 = arith.constant 160 : index
        %swap3A_394 = tpu.vector_load %arg12[%swap3A_392, %swap3A_393] {strides = array<i32>} : memref<32x512xf32, #tpu.memory_space<vmem>>, vector<1x16xf32>,
        %swap3A_395 = vector.shape_cast %swap3A_394 : vector<1x16xf32> to vector<16xf32>
        %swap3A_396 = vector.shape_cast %sub3A_391 : vector<16xf32> to vector<1x16xf32>
        tpu.vector_store %arg12[%swap3A_392, %swap3A_393], %swap3A_396 {strides = array<i32>} : memref<32x512xf32, #tpu.memory_space<vmem>>, vector<1x16xf32>,
        %swap3A_397 = arith.index_cast %scan3A_236 : i32 to index
        %swap3A_398 = arith.constant 416 : index
        %swap3A_399 = tpu.vector_load %arg12[%swap3A_397, %swap3A_398] {strides = array<i32>} : memref<32x512xf32, #tpu.memory_space<vmem>>, vector<1x16xf32>,
        %swap3A_400 = vector.shape_cast %swap3A_399 : vector<1x16xf32> to vector<16xf32>
        %swap3A_401 = vector.shape_cast %get3A_198 : vector<16xf32> to vector<1x16xf32>
        tpu.vector_store %arg12[%swap3A_397, %swap3A_398], %swap3A_401 {strides = array<i32>} : memref<32x512xf32, #tpu.memory_space<vmem>>, vector<1x16xf32>,
        %get3A_402 = arith.index_cast %scan3A_236 : i32 to index
        %get3A_403 = arith.constant 176 : index
        %get3A_404 = tpu.vector_load %arg10[%get3A_402, %get3A_403] {strides = array<i32>} : memref<32x256xf32, #tpu.memory_space<vmem>>, vector<1x16xf32>,
        %get3A_405 = vector.shape_cast %get3A_404 : vector<1x16xf32> to vector<16xf32>
        %sub3A_406 = arith.subf %get3A_405, %get3A_202 : vector<16xf32>
        %swap3A_407 = arith.index_cast %scan3A_236 : i32 to index
        %swap3A_408 = arith.constant 176 : index
        %swap3A_409 = tpu.vector_load %arg12[%swap3A_407, %swap3A_408] {strides = array<i32>} : memref<32x512xf32, #tpu.memory_space<vmem>>, vector<1x16xf32>,
        %swap3A_410 = vector.shape_cast %swap3A_409 : vector<1x16xf32> to vector<16xf32>
        %swap3A_411 = vector.shape_cast %sub3A_406 : vector<16xf32> to vector<1x16xf32>
        tpu.vector_store %arg12[%swap3A_407, %swap3A_408], %swap3A_411 {strides = array<i32>} : memref<32x512xf32, #tpu.memory_space<vmem>>, vector<1x16xf32>,
        %swap3A_412 = arith.index_cast %scan3A_236 : i32 to index
        %swap3A_413 = arith.constant 432 : index
        %swap3A_414 = tpu.vector_load %arg12[%swap3A_412, %swap3A_413] {strides = array<i32>} : memref<32x512xf32, #tpu.memory_space<vmem>>, vector<1x16xf32>,
        %swap3A_415 = vector.shape_cast %swap3A_414 : vector<1x16xf32> to vector<16xf32>
        %swap3A_416 = vector.shape_cast %get3A_202 : vector<16xf32> to vector<1x16xf32>
        tpu.vector_store %arg12[%swap3A_412, %swap3A_413], %swap3A_416 {strides = array<i32>} : memref<32x512xf32, #tpu.memory_space<vmem>>, vector<1x16xf32>,
        %get3A_417 = arith.index_cast %scan3A_236 : i32 to index
        %get3A_418 = arith.constant 192 : index
        %get3A_419 = tpu.vector_load %arg10[%get3A_417, %get3A_418] {strides = array<i32>} : memref<32x256xf32, #tpu.memory_space<vmem>>, vector<1x16xf32>,
        %get3A_420 = vector.shape_cast %get3A_419 : vector<1x16xf32> to vector<16xf32>
        %sub3A_421 = arith.subf %get3A_420, %get3A_206 : vector<16xf32>
        %swap3A_422 = arith.index_cast %scan3A_236 : i32 to index
        %swap3A_423 = arith.constant 192 : index
        %swap3A_424 = tpu.vector_load %arg12[%swap3A_422, %swap3A_423] {strides = array<i32>} : memref<32x512xf32, #tpu.memory_space<vmem>>, vector<1x16xf32>,
        %swap3A_425 = vector.shape_cast %swap3A_424 : vector<1x16xf32> to vector<16xf32>
        %swap3A_426 = vector.shape_cast %sub3A_421 : vector<16xf32> to vector<1x16xf32>
        tpu.vector_store %arg12[%swap3A_422, %swap3A_423], %swap3A_426 {strides = array<i32>} : memref<32x512xf32, #tpu.memory_space<vmem>>, vector<1x16xf32>,
        %swap3A_427 = arith.index_cast %scan3A_236 : i32 to index
        %swap3A_428 = arith.constant 448 : index
        %swap3A_429 = tpu.vector_load %arg12[%swap3A_427, %swap3A_428] {strides = array<i32>} : memref<32x512xf32, #tpu.memory_space<vmem>>, vector<1x16xf32>,
        %swap3A_430 = vector.shape_cast %swap3A_429 : vector<1x16xf32> to vector<16xf32>
        %swap3A_431 = vector.shape_cast %get3A_206 : vector<16xf32> to vector<1x16xf32>
        tpu.vector_store %arg12[%swap3A_427, %swap3A_428], %swap3A_431 {strides = array<i32>} : memref<32x512xf32, #tpu.memory_space<vmem>>, vector<1x16xf32>,
        %get3A_432 = arith.index_cast %scan3A_236 : i32 to index
        %get3A_433 = arith.constant 208 : index
        %get3A_434 = tpu.vector_load %arg10[%get3A_432, %get3A_433] {strides = array<i32>} : memref<32x256xf32, #tpu.memory_space<vmem>>, vector<1x16xf32>,
        %get3A_435 = vector.shape_cast %get3A_434 : vector<1x16xf32> to vector<16xf32>
        %sub3A_436 = arith.subf %get3A_435, %get3A_210 : vector<16xf32>
        %swap3A_437 = arith.index_cast %scan3A_236 : i32 to index
        %swap3A_438 = arith.constant 208 : index
        %swap3A_439 = tpu.vector_load %arg12[%swap3A_437, %swap3A_438] {strides = array<i32>} : memref<32x512xf32, #tpu.memory_space<vmem>>, vector<1x16xf32>,
        %swap3A_440 = vector.shape_cast %swap3A_439 : vector<1x16xf32> to vector<16xf32>
        %swap3A_441 = vector.shape_cast %sub3A_436 : vector<16xf32> to vector<1x16xf32>
        tpu.vector_store %arg12[%swap3A_437, %swap3A_438], %swap3A_441 {strides = array<i32>} : memref<32x512xf32, #tpu.memory_space<vmem>>, vector<1x16xf32>,
        %swap3A_442 = arith.index_cast %scan3A_236 : i32 to index
        %swap3A_443 = arith.constant 464 : index
        %swap3A_444 = tpu.vector_load %arg12[%swap3A_442, %swap3A_443] {strides = array<i32>} : memref<32x512xf32, #tpu.memory_space<vmem>>, vector<1x16xf32>,
        %swap3A_445 = vector.shape_cast %swap3A_444 : vector<1x16xf32> to vector<16xf32>
        %swap3A_446 = vector.shape_cast %get3A_210 : vector<16xf32> to vector<1x16xf32>
        tpu.vector_store %arg12[%swap3A_442, %swap3A_443], %swap3A_446 {strides = array<i32>} : memref<32x512xf32, #tpu.memory_space<vmem>>, vector<1x16xf32>,
        %get3A_447 = arith.index_cast %scan3A_236 : i32 to index
        %get3A_448 = arith.constant 224 : index
        %get3A_449 = tpu.vector_load %arg10[%get3A_447, %get3A_448] {strides = array<i32>} : memref<32x256xf32, #tpu.memory_space<vmem>>, vector<1x16xf32>,
        %get3A_450 = vector.shape_cast %get3A_449 : vector<1x16xf32> to vector<16xf32>
        %sub3A_451 = arith.subf %get3A_450, %get3A_214 : vector<16xf32>
        %swap3A_452 = arith.index_cast %scan3A_236 : i32 to index
        %swap3A_453 = arith.constant 224 : index
        %swap3A_454 = tpu.vector_load %arg12[%swap3A_452, %swap3A_453] {strides = array<i32>} : memref<32x512xf32, #tpu.memory_space<vmem>>, vector<1x16xf32>,
        %swap3A_455 = vector.shape_cast %swap3A_454 : vector<1x16xf32> to vector<16xf32>
        %swap3A_456 = vector.shape_cast %sub3A_451 : vector<16xf32> to vector<1x16xf32>
        tpu.vector_store %arg12[%swap3A_452, %swap3A_453], %swap3A_456 {strides = array<i32>} : memref<32x512xf32, #tpu.memory_space<vmem>>, vector<1x16xf32>,
        %swap3A_457 = arith.index_cast %scan3A_236 : i32 to index
        %swap3A_458 = arith.constant 480 : index
        %swap3A_459 = tpu.vector_load %arg12[%swap3A_457, %swap3A_458] {strides = array<i32>} : memref<32x512xf32, #tpu.memory_space<vmem>>, vector<1x16xf32>,
        %swap3A_460 = vector.shape_cast %swap3A_459 : vector<1x16xf32> to vector<16xf32>
        %swap3A_461 = vector.shape_cast %get3A_214 : vector<16xf32> to vector<1x16xf32>
        tpu.vector_store %arg12[%swap3A_457, %swap3A_458], %swap3A_461 {strides = array<i32>} : memref<32x512xf32, #tpu.memory_space<vmem>>, vector<1x16xf32>,
        %get3A_462 = arith.index_cast %scan3A_236 : i32 to index
        %get3A_463 = arith.constant 240 : index
        %get3A_464 = tpu.vector_load %arg10[%get3A_462, %get3A_463] {strides = array<i32>} : memref<32x256xf32, #tpu.memory_space<vmem>>, vector<1x16xf32>,
        %get3A_465 = vector.shape_cast %get3A_464 : vector<1x16xf32> to vector<16xf32>
        %sub3A_466 = arith.subf %get3A_465, %get3A_218 : vector<16xf32>
        %swap3A_467 = arith.index_cast %scan3A_236 : i32 to index
        %swap3A_468 = arith.constant 240 : index
        %swap3A_469 = tpu.vector_load %arg12[%swap3A_467, %swap3A_468] {strides = array<i32>} : memref<32x512xf32, #tpu.memory_space<vmem>>, vector<1x16xf32>,
        %swap3A_470 = vector.shape_cast %swap3A_469 : vector<1x16xf32> to vector<16xf32>
        %swap3A_471 = vector.shape_cast %sub3A_466 : vector<16xf32> to vector<1x16xf32>
        tpu.vector_store %arg12[%swap3A_467, %swap3A_468], %swap3A_471 {strides = array<i32>} : memref<32x512xf32, #tpu.memory_space<vmem>>, vector<1x16xf32>,
        %swap3A_472 = arith.index_cast %scan3A_236 : i32 to index
        %swap3A_473 = arith.constant 496 : index
        %swap3A_474 = tpu.vector_load %arg12[%swap3A_472, %swap3A_473] {strides = array<i32>} : memref<32x512xf32, #tpu.memory_space<vmem>>, vector<1x16xf32>,
        %swap3A_475 = vector.shape_cast %swap3A_474 : vector<1x16xf32> to vector<16xf32>
        %swap3A_476 = vector.shape_cast %get3A_218 : vector<16xf32> to vector<1x16xf32>
        tpu.vector_store %arg12[%swap3A_472, %swap3A_473], %swap3A_476 {strides = array<i32>} : memref<32x512xf32, #tpu.memory_space<vmem>>, vector<1x16xf32>,
        %scan3A_477 = arith.constant 0 : i32
        scf.yield %scan3A_477 : i32
      }
      %scan3A_225 = arith.constant 32 : i32
      %add3A_226 = arith.addi %mul3A_2, %mul3A_42 : i32
      %add3A_227 = arith.constant 1 : i32
      %add3A_228 = arith.addi %add3A_226, %add3A_227 : i32
      %mul3A_229 = arith.constant 32 : i32
      %mul3A_230 = arith.muli %add3A_228, %mul3A_229 : i32
      %dma_start3A_231 = arith.constant 0 : i32
      %dma_start3A_232 = tpu.memref_slice %arg5[%mul3A_230, %dma_start3A_231] : memref<65536x512xf32, #tpu.memory_space<hbm>> -> memref<32x512xf32, #tpu.memory_space<hbm>>
      %dma_start3A_233 = arith.constant 0 : i32
      %dma_start3A_234 = tpu.memref_slice %arg5[%mul3A_230, %dma_start3A_233] : memref<65536x512xf32, #tpu.memory_space<hbm>> -> memref<32x512xf32, #tpu.memory_space<hbm>>
      tpu.enqueue_dma source(%arg12 : memref<32x512xf32, #tpu.memory_space<vmem>>) target(%dma_start3A_234 : memref<32x512xf32, #tpu.memory_space<hbm>>) target_semaphore(%arg16 : memref<!tpu.dma_semaphore, #tpu.memory_space<semaphore_mem>>)
      %scan3A_235 = arith.constant 0 : i32
      scf.yield %scan3A_235 : i32
    }
    %scan3A_19 = arith.constant 32 : i32
    %add3A_20 = arith.constant 64 : i32
    %add3A_21 = arith.addi %mul3A_2, %add3A_20 : i32
    %sub3A = arith.constant 2 : i32
    %sub3A_22 = arith.subi %add3A_21, %sub3A : i32
    %mul3A_23 = arith.constant 32 : i32
    %mul3A_24 = arith.muli %sub3A_22, %mul3A_23 : i32
    %dma_wait3A_25 = arith.constant 0 : i32
    %dma_wait3A_26 = tpu.memref_slice %arg5[%mul3A_24, %dma_wait3A_25] : memref<65536x512xf32, #tpu.memory_space<hbm>> -> memref<32x512xf32, #tpu.memory_space<hbm>>
    %dma_wait3A_27 = arith.constant 0 : i32
    %dma_wait3A_28 = tpu.memref_slice %arg5[%mul3A_24, %dma_wait3A_27] : memref<65536x512xf32, #tpu.memory_space<hbm>> -> memref<32x512xf32, #tpu.memory_space<hbm>>
    tpu.wait_dma2 semaphore(%arg15 : memref<!tpu.dma_semaphore, #tpu.memory_space<semaphore_mem>>) src(%arg11 : memref<32x512xf32, #tpu.memory_space<vmem>>) dst(%dma_wait3A_28 : memref<32x512xf32, #tpu.memory_space<hbm>>)
    %add3A_29 = arith.constant 64 : i32
    %add3A_30 = arith.addi %mul3A_2, %add3A_29 : i32
    %sub3A_31 = arith.constant 1 : i32
    %sub3A_32 = arith.subi %add3A_30, %sub3A_31 : i32
    %mul3A_33 = arith.constant 32 : i32
    %mul3A_34 = arith.muli %sub3A_32, %mul3A_33 : i32
    %dma_wait3A_35 = arith.constant 0 : i32
    %dma_wait3A_36 = tpu.memref_slice %arg5[%mul3A_34, %dma_wait3A_35] : memref<65536x512xf32, #tpu.memory_space<hbm>> -> memref<32x512xf32, #tpu.memory_space<hbm>>
    %dma_wait3A_37 = arith.constant 0 : i32
    %dma_wait3A_38 = tpu.memref_slice %arg5[%mul3A_34, %dma_wait3A_37] : memref<65536x512xf32, #tpu.memory_space<hbm>> -> memref<32x512xf32, #tpu.memory_space<hbm>>
    tpu.wait_dma2 semaphore(%arg16 : memref<!tpu.dma_semaphore, #tpu.memory_space<semaphore_mem>>) src(%arg12 : memref<32x512xf32, #tpu.memory_space<vmem>>) dst(%dma_wait3A_38 : memref<32x512xf32, #tpu.memory_space<hbm>>)
    return
  }
}

module attributes {stable_mosaic.version = 14 : i64} {
  func.func @_fps_body(%arg0: memref<4x8x256xf32, #tpu.memory_space<vmem>>, %arg1: memref<4x8x256xf32, #tpu.memory_space<vmem>>, %arg2: memref<4x8x256xf32, #tpu.memory_space<vmem>>, %arg3: memref<4x512xi32, #tpu.memory_space<vmem>>, %arg4: memref<4x512xf32, #tpu.memory_space<vmem>>, %arg5: memref<4x512xf32, #tpu.memory_space<vmem>>, %arg6: memref<4x512xf32, #tpu.memory_space<vmem>>) attributes {dimension_semantics = [], scalar_prefetch = 0 : i64, scratch_operands = 0 : i64, tpu.core_type = #tpu.core_type<tc>} {
    %get3A = arith.constant 0 : index
    %get3A_0 = arith.constant 0 : index
    %get3A_1 = arith.constant 0 : index
    %get3A_2 = vector.load %arg0[%get3A, %get3A_0, %get3A_1] : memref<4x8x256xf32, #tpu.memory_space<vmem>>, vector<4x8x256xf32>
    %get3A_3 = arith.constant 0 : index
    %get3A_4 = arith.constant 0 : index
    %get3A_5 = arith.constant 0 : index
    %get3A_6 = vector.load %arg1[%get3A_3, %get3A_4, %get3A_5] : memref<4x8x256xf32, #tpu.memory_space<vmem>>, vector<4x8x256xf32>
    %get3A_7 = arith.constant 0 : index
    %get3A_8 = arith.constant 0 : index
    %get3A_9 = arith.constant 0 : index
    %get3A_10 = vector.load %arg2[%get3A_7, %get3A_8, %get3A_9] : memref<4x8x256xf32, #tpu.memory_space<vmem>>, vector<4x8x256xf32>
    %iota3A = tpu.iota {dimensions = array<i32: 1>} : vector<4x8x256xi32>
    %mul3A = arith.constant 256 : i32
    %mul3A_11 = vector.broadcast %mul3A : i32 to vector<4x8x256xi32>
    %mul3A_12 = arith.muli %iota3A, %mul3A_11 : vector<4x8x256xi32>
    %iota3A_13 = tpu.iota {dimensions = array<i32: 2>} : vector<4x8x256xi32>
    %add3A = arith.addi %mul3A_12, %iota3A_13 : vector<4x8x256xi32>
    %iota3A_14 = tpu.iota {dimensions = array<i32: 1>} : vector<4x512xi32>
    %broadcast_in_dim3A = arith.constant 1.000000e+10 : f32
    %broadcast_in_dim3A_15 = vector.broadcast %broadcast_in_dim3A : f32 to vector<4x8x256xf32>
    %broadcast_in_dim3A_16 = arith.constant 0 : i32
    %broadcast_in_dim3A_17 = vector.broadcast %broadcast_in_dim3A_16 : i32 to vector<4x1x1xi32>
    %broadcast_in_dim3A_18 = arith.constant 0 : i32
    %broadcast_in_dim3A_19 = vector.broadcast %broadcast_in_dim3A_18 : i32 to vector<4x512xi32>
    %broadcast_in_dim3A_20 = arith.constant 0.000000e+00 : f32
    %broadcast_in_dim3A_21 = vector.broadcast %broadcast_in_dim3A_20 : f32 to vector<4x512xf32>
    %broadcast_in_dim3A_22 = arith.constant 0.000000e+00 : f32
    %broadcast_in_dim3A_23 = vector.broadcast %broadcast_in_dim3A_22 : f32 to vector<4x512xf32>
    %broadcast_in_dim3A_24 = arith.constant 0.000000e+00 : f32
    %broadcast_in_dim3A_25 = vector.broadcast %broadcast_in_dim3A_24 : f32 to vector<4x512xf32>
    %scan3A = arith.constant 0 : i32
    %scan3A_26 = arith.constant 512 : i32
    %scan3A_27 = arith.addi %scan3A, %scan3A_26 : i32
    %scan3A_28 = arith.constant 1 : i32
    %scan3A_29:6 = scf.for %scan3A_42 = %scan3A to %scan3A_27 step %scan3A_28 iter_args(%scan3A_43 = %broadcast_in_dim3A_15, %scan3A_44 = %broadcast_in_dim3A_17, %scan3A_45 = %broadcast_in_dim3A_19, %scan3A_46 = %broadcast_in_dim3A_21, %scan3A_47 = %broadcast_in_dim3A_23, %scan3A_48 = %broadcast_in_dim3A_25) -> (vector<4x8x256xf32>, vector<4x1x1xi32>, vector<4x512xi32>, vector<4x512xf32>, vector<4x512xf32>, vector<4x512xf32>)  : i32 {
      %eq3A = vector.broadcast %scan3A_44 : vector<4x1x1xi32> to vector<4x8x256xi32>
      %eq3A_49 = arith.cmpi eq, %add3A, %eq3A : vector<4x8x256xi32>
      %jit3A = arith.constant 0.000000e+00 : f32
      %broadcast_in_dim3A_50 = vector.broadcast %jit3A : f32 to vector<4x8x256xf32>
      %select_n3A = arith.select %eq3A_49, %get3A_2, %broadcast_in_dim3A_50 : vector<4x8x256xi1>, vector<4x8x256xf32>
      %reduce_sum3A = arith.constant dense<0.000000e+00> : vector<4x8xf32>
      %reduce_sum3A_51 = vector.multi_reduction <add>, %select_n3A, %reduce_sum3A [2] : vector<4x8x256xf32> to vector<4x8xf32>
      %broadcast_in_dim3A_52 = vector.shape_cast %reduce_sum3A_51 : vector<4x8xf32> to vector<4x8x1xf32>
      %reduce_sum3A_53 = arith.constant dense<0.000000e+00> : vector<4x1xf32>
      %reduce_sum3A_54 = vector.multi_reduction <add>, %broadcast_in_dim3A_52, %reduce_sum3A_53 [1] : vector<4x8x1xf32> to vector<4x1xf32>
      %broadcast_in_dim3A_55 = vector.shape_cast %reduce_sum3A_54 : vector<4x1xf32> to vector<4x1x1xf32>
      %jit3A_56 = arith.constant 0.000000e+00 : f32
      %broadcast_in_dim3A_57 = vector.broadcast %jit3A_56 : f32 to vector<4x8x256xf32>
      %select_n3A_58 = arith.select %eq3A_49, %get3A_6, %broadcast_in_dim3A_57 : vector<4x8x256xi1>, vector<4x8x256xf32>
      %reduce_sum3A_59 = arith.constant dense<0.000000e+00> : vector<4x8xf32>
      %reduce_sum3A_60 = vector.multi_reduction <add>, %select_n3A_58, %reduce_sum3A_59 [2] : vector<4x8x256xf32> to vector<4x8xf32>
      %broadcast_in_dim3A_61 = vector.shape_cast %reduce_sum3A_60 : vector<4x8xf32> to vector<4x8x1xf32>
      %reduce_sum3A_62 = arith.constant dense<0.000000e+00> : vector<4x1xf32>
      %reduce_sum3A_63 = vector.multi_reduction <add>, %broadcast_in_dim3A_61, %reduce_sum3A_62 [1] : vector<4x8x1xf32> to vector<4x1xf32>
      %broadcast_in_dim3A_64 = vector.shape_cast %reduce_sum3A_63 : vector<4x1xf32> to vector<4x1x1xf32>
      %jit3A_65 = arith.constant 0.000000e+00 : f32
      %broadcast_in_dim3A_66 = vector.broadcast %jit3A_65 : f32 to vector<4x8x256xf32>
      %select_n3A_67 = arith.select %eq3A_49, %get3A_10, %broadcast_in_dim3A_66 : vector<4x8x256xi1>, vector<4x8x256xf32>
      %reduce_sum3A_68 = arith.constant dense<0.000000e+00> : vector<4x8xf32>
      %reduce_sum3A_69 = vector.multi_reduction <add>, %select_n3A_67, %reduce_sum3A_68 [2] : vector<4x8x256xf32> to vector<4x8xf32>
      %broadcast_in_dim3A_70 = vector.shape_cast %reduce_sum3A_69 : vector<4x8xf32> to vector<4x8x1xf32>
      %reduce_sum3A_71 = arith.constant dense<0.000000e+00> : vector<4x1xf32>
      %reduce_sum3A_72 = vector.multi_reduction <add>, %broadcast_in_dim3A_70, %reduce_sum3A_71 [1] : vector<4x8x1xf32> to vector<4x1xf32>
      %broadcast_in_dim3A_73 = vector.shape_cast %reduce_sum3A_72 : vector<4x1xf32> to vector<4x1x1xf32>
      %sub3A = vector.broadcast %broadcast_in_dim3A_55 : vector<4x1x1xf32> to vector<4x8x256xf32>
      %sub3A_74 = arith.subf %get3A_2, %sub3A : vector<4x8x256xf32>
      %sub3A_75 = vector.broadcast %broadcast_in_dim3A_64 : vector<4x1x1xf32> to vector<4x8x256xf32>
      %sub3A_76 = arith.subf %get3A_6, %sub3A_75 : vector<4x8x256xf32>
      %sub3A_77 = vector.broadcast %broadcast_in_dim3A_73 : vector<4x1x1xf32> to vector<4x8x256xf32>
      %sub3A_78 = arith.subf %get3A_10, %sub3A_77 : vector<4x8x256xf32>
      %mul3A_79 = arith.mulf %sub3A_74, %sub3A_74 : vector<4x8x256xf32>
      %mul3A_80 = arith.mulf %sub3A_76, %sub3A_76 : vector<4x8x256xf32>
      %add3A_81 = arith.addf %mul3A_79, %mul3A_80 : vector<4x8x256xf32>
      %mul3A_82 = arith.mulf %sub3A_78, %sub3A_78 : vector<4x8x256xf32>
      %add3A_83 = arith.addf %add3A_81, %mul3A_82 : vector<4x8x256xf32>
      %min3A = arith.minimumf %scan3A_43, %add3A_83 : vector<4x8x256xf32>
      %eq3A_84 = vector.broadcast %scan3A_42 : i32 to vector<4x512xi32>
      %eq3A_85 = arith.cmpi eq, %iota3A_14, %eq3A_84 : vector<4x512xi32>
      %reshape3A = vector.shape_cast %scan3A_44 : vector<4x1x1xi32> to vector<4x1xi32>
      %broadcast_in_dim3A_86 = vector.shape_cast %reshape3A : vector<4x1xi32> to vector<4x1xi32>
      %broadcast_in_dim3A_87 = vector.broadcast %broadcast_in_dim3A_86 : vector<4x1xi32> to vector<4x512xi32>
      %select_n3A_88 = arith.select %eq3A_85, %broadcast_in_dim3A_87, %scan3A_45 : vector<4x512xi1>, vector<4x512xi32>
      %reshape3A_89 = vector.shape_cast %broadcast_in_dim3A_55 : vector<4x1x1xf32> to vector<4x1xf32>
      %broadcast_in_dim3A_90 = vector.shape_cast %reshape3A_89 : vector<4x1xf32> to vector<4x1xf32>
      %broadcast_in_dim3A_91 = vector.broadcast %broadcast_in_dim3A_90 : vector<4x1xf32> to vector<4x512xf32>
      %select_n3A_92 = arith.select %eq3A_85, %broadcast_in_dim3A_91, %scan3A_46 : vector<4x512xi1>, vector<4x512xf32>
      %reshape3A_93 = vector.shape_cast %broadcast_in_dim3A_64 : vector<4x1x1xf32> to vector<4x1xf32>
      %broadcast_in_dim3A_94 = vector.shape_cast %reshape3A_93 : vector<4x1xf32> to vector<4x1xf32>
      %broadcast_in_dim3A_95 = vector.broadcast %broadcast_in_dim3A_94 : vector<4x1xf32> to vector<4x512xf32>
      %select_n3A_96 = arith.select %eq3A_85, %broadcast_in_dim3A_95, %scan3A_47 : vector<4x512xi1>, vector<4x512xf32>
      %reshape3A_97 = vector.shape_cast %broadcast_in_dim3A_73 : vector<4x1x1xf32> to vector<4x1xf32>
      %broadcast_in_dim3A_98 = vector.shape_cast %reshape3A_97 : vector<4x1xf32> to vector<4x1xf32>
      %broadcast_in_dim3A_99 = vector.broadcast %broadcast_in_dim3A_98 : vector<4x1xf32> to vector<4x512xf32>
      %select_n3A_100 = arith.select %eq3A_85, %broadcast_in_dim3A_99, %scan3A_48 : vector<4x512xi1>, vector<4x512xf32>
      %reduce_max3A = arith.constant dense<0xFF800000> : vector<4x8xf32>
      %reduce_max3A_101 = vector.multi_reduction <maximumf>, %min3A, %reduce_max3A [2] : vector<4x8x256xf32> to vector<4x8xf32>
      %broadcast_in_dim3A_102 = vector.shape_cast %reduce_max3A_101 : vector<4x8xf32> to vector<4x8x1xf32>
      %reduce_max3A_103 = arith.constant dense<0xFF800000> : vector<4x1xf32>
      %reduce_max3A_104 = vector.multi_reduction <maximumf>, %broadcast_in_dim3A_102, %reduce_max3A_103 [1] : vector<4x8x1xf32> to vector<4x1xf32>
      %broadcast_in_dim3A_105 = vector.shape_cast %reduce_max3A_104 : vector<4x1xf32> to vector<4x1x1xf32>
      %eq3A_106 = vector.broadcast %broadcast_in_dim3A_105 : vector<4x1x1xf32> to vector<4x8x256xf32>
      %eq3A_107 = arith.cmpf oeq, %min3A, %eq3A_106 : vector<4x8x256xf32>
      %jit3A_108 = arith.constant 2048 : i32
      %broadcast_in_dim3A_109 = vector.broadcast %jit3A_108 : i32 to vector<4x8x256xi32>
      %select_n3A_110 = arith.select %eq3A_107, %add3A, %broadcast_in_dim3A_109 : vector<4x8x256xi1>, vector<4x8x256xi32>
      %reduce_min3A = arith.constant dense<2147483647> : vector<4x8xi32>
      %reduce_min3A_111 = vector.multi_reduction <minsi>, %select_n3A_110, %reduce_min3A [2] : vector<4x8x256xi32> to vector<4x8xi32>
      %broadcast_in_dim3A_112 = vector.shape_cast %reduce_min3A_111 : vector<4x8xi32> to vector<4x8x1xi32>
      %reduce_min3A_113 = arith.constant dense<2147483647> : vector<4x1xi32>
      %reduce_min3A_114 = vector.multi_reduction <minsi>, %broadcast_in_dim3A_112, %reduce_min3A_113 [1] : vector<4x8x1xi32> to vector<4x1xi32>
      %broadcast_in_dim3A_115 = vector.shape_cast %reduce_min3A_114 : vector<4x1xi32> to vector<4x1x1xi32>
      scf.yield %min3A, %broadcast_in_dim3A_115, %select_n3A_88, %select_n3A_92, %select_n3A_96, %select_n3A_100 : vector<4x8x256xf32>, vector<4x1x1xi32>, vector<4x512xi32>, vector<4x512xf32>, vector<4x512xf32>, vector<4x512xf32>
    }
    %scan3A_30 = arith.constant 512 : i32
    %swap3A = arith.constant 0 : index
    %swap3A_31 = arith.constant 0 : index
    %swap3A_32 = vector.load %arg3[%swap3A, %swap3A_31] : memref<4x512xi32, #tpu.memory_space<vmem>>, vector<4x512xi32>
    tpu.vector_store %arg3[%swap3A, %swap3A_31], %scan3A_29#2 {strides = array<i32>} : memref<4x512xi32, #tpu.memory_space<vmem>>, vector<4x512xi32>,
    %swap3A_33 = arith.constant 0 : index
    %swap3A_34 = arith.constant 0 : index
    %swap3A_35 = vector.load %arg4[%swap3A_33, %swap3A_34] : memref<4x512xf32, #tpu.memory_space<vmem>>, vector<4x512xf32>
    tpu.vector_store %arg4[%swap3A_33, %swap3A_34], %scan3A_29#3 {strides = array<i32>} : memref<4x512xf32, #tpu.memory_space<vmem>>, vector<4x512xf32>,
    %swap3A_36 = arith.constant 0 : index
    %swap3A_37 = arith.constant 0 : index
    %swap3A_38 = vector.load %arg5[%swap3A_36, %swap3A_37] : memref<4x512xf32, #tpu.memory_space<vmem>>, vector<4x512xf32>
    tpu.vector_store %arg5[%swap3A_36, %swap3A_37], %scan3A_29#4 {strides = array<i32>} : memref<4x512xf32, #tpu.memory_space<vmem>>, vector<4x512xf32>,
    %swap3A_39 = arith.constant 0 : index
    %swap3A_40 = arith.constant 0 : index
    %swap3A_41 = vector.load %arg6[%swap3A_39, %swap3A_40] : memref<4x512xf32, #tpu.memory_space<vmem>>, vector<4x512xf32>
    tpu.vector_store %arg6[%swap3A_39, %swap3A_40], %scan3A_29#5 {strides = array<i32>} : memref<4x512xf32, #tpu.memory_space<vmem>>, vector<4x512xf32>,
    return
  }
}

module attributes {stable_mosaic.version = 14 : i64} {
  func.func @_knn_body(%arg0: i32, %arg1: memref<1x512x8xf32, #tpu.memory_space<vmem>>, %arg2: memref<1x8x2048xf32, #tpu.memory_space<vmem>>, %arg3: memref<1x512x32xi32, #tpu.memory_space<vmem>>, %arg4: memref<512x2048xf32, #tpu.memory_space<vmem>>) attributes {dimension_semantics = [#tpu.dimension_semantics<arbitrary>], iteration_bounds = array<i64: 4>, scalar_prefetch = 0 : i64, scratch_operands = 1 : i64, tpu.core_type = #tpu.core_type<tc>, window_params = [{transform_indices = @transform_0, window_bounds = array<i64: 1, 512, 8>}, {transform_indices = @transform_1, window_bounds = array<i64: 1, 8, 2048>}, {transform_indices = @transform_2, window_bounds = array<i64: 1, 512, 32>}]} {
    %get3A = arith.constant 0 : index
    %get3A_0 = arith.constant 0 : index
    %get3A_1 = arith.constant 0 : index
    %get3A_2 = vector.load %arg1[%get3A, %get3A_0, %get3A_1] : memref<1x512x8xf32, #tpu.memory_space<vmem>>, vector<1x512x8xf32>
    %get3A_3 = vector.shape_cast %get3A_2 : vector<1x512x8xf32> to vector<512x8xf32>
    %get3A_4 = arith.constant 0 : index
    %get3A_5 = arith.constant 0 : index
    %get3A_6 = arith.constant 0 : index
    %get3A_7 = vector.load %arg2[%get3A_4, %get3A_5, %get3A_6] : memref<1x8x2048xf32, #tpu.memory_space<vmem>>, vector<1x8x2048xf32>
    %get3A_8 = vector.shape_cast %get3A_7 : vector<1x8x2048xf32> to vector<8x2048xf32>
    %dot_general3A = arith.constant dense<0.000000e+00> : vector<512x2048xf32>
    %dot_general3A_9 = tpu.matmul %get3A_3, %get3A_8, %dot_general3A {dimension_numbers = #tpu.dot_dimension_numbers<[1], [0], [0], [1], [0, 0, 1, 1], [], []>, transpose_lhs_hint = false} : vector<512x8xf32>, vector<8x2048xf32>, vector<512x2048xf32> -> vector<512x2048xf32>
    %slice3A = vector.extract_strided_slice %get3A_3 {offsets = [0, 0], sizes = [512, 1], strides = [1, 1]} : vector<512x8xf32> to vector<512x1xf32>
    %slice3A_10 = vector.extract_strided_slice %get3A_3 {offsets = [0, 1], sizes = [512, 1], strides = [1, 1]} : vector<512x8xf32> to vector<512x1xf32>
    %slice3A_11 = vector.extract_strided_slice %get3A_3 {offsets = [0, 2], sizes = [512, 1], strides = [1, 1]} : vector<512x8xf32> to vector<512x1xf32>
    %slice3A_12 = vector.extract_strided_slice %get3A_8 {offsets = [0, 0], sizes = [1, 2048], strides = [1, 1]} : vector<8x2048xf32> to vector<1x2048xf32>
    %slice3A_13 = vector.extract_strided_slice %get3A_8 {offsets = [1, 0], sizes = [1, 2048], strides = [1, 1]} : vector<8x2048xf32> to vector<1x2048xf32>
    %slice3A_14 = vector.extract_strided_slice %get3A_8 {offsets = [2, 0], sizes = [1, 2048], strides = [1, 1]} : vector<8x2048xf32> to vector<1x2048xf32>
    %mul3A = arith.mulf %slice3A, %slice3A : vector<512x1xf32>
    %mul3A_15 = arith.mulf %slice3A_10, %slice3A_10 : vector<512x1xf32>
    %add3A = arith.addf %mul3A, %mul3A_15 : vector<512x1xf32>
    %mul3A_16 = arith.mulf %slice3A_11, %slice3A_11 : vector<512x1xf32>
    %add3A_17 = arith.addf %add3A, %mul3A_16 : vector<512x1xf32>
    %mul3A_18 = arith.mulf %slice3A_12, %slice3A_12 : vector<1x2048xf32>
    %mul3A_19 = arith.mulf %slice3A_13, %slice3A_13 : vector<1x2048xf32>
    %add3A_20 = arith.addf %mul3A_18, %mul3A_19 : vector<1x2048xf32>
    %mul3A_21 = arith.mulf %slice3A_14, %slice3A_14 : vector<1x2048xf32>
    %add3A_22 = arith.addf %add3A_20, %mul3A_21 : vector<1x2048xf32>
    %mul3A_23 = arith.constant -2.000000e+00 : f32
    %mul3A_24 = vector.broadcast %mul3A_23 : f32 to vector<512x2048xf32>
    %mul3A_25 = arith.mulf %mul3A_24, %dot_general3A_9 : vector<512x2048xf32>
    %add3A_26 = vector.broadcast %add3A_17 : vector<512x1xf32> to vector<512x2048xf32>
    %add3A_27 = arith.addf %mul3A_25, %add3A_26 : vector<512x2048xf32>
    %add3A_28 = vector.broadcast %add3A_22 : vector<1x2048xf32> to vector<512x2048xf32>
    %add3A_29 = arith.addf %add3A_27, %add3A_28 : vector<512x2048xf32>
    %swap3A = arith.constant 0 : index
    %swap3A_30 = arith.constant 0 : index
    %swap3A_31 = vector.load %arg4[%swap3A, %swap3A_30] : memref<512x2048xf32, #tpu.memory_space<vmem>>, vector<512x2048xf32>
    tpu.vector_store %arg4[%swap3A, %swap3A_30], %add3A_29 {strides = array<i32>} : memref<512x2048xf32, #tpu.memory_space<vmem>>, vector<512x2048xf32>,
    %iota3A = tpu.iota {dimensions = array<i32: 1>} : vector<512x2048xi32>
    %iota3A_32 = tpu.iota {dimensions = array<i32: 1>} : vector<512x32xi32>
    %broadcast_in_dim3A = arith.constant 0 : i32
    %broadcast_in_dim3A_33 = vector.broadcast %broadcast_in_dim3A : i32 to vector<512x32xi32>
    %scan3A = arith.constant 0 : i32
    %scan3A_34 = arith.constant 32 : i32
    %scan3A_35 = arith.addi %scan3A, %scan3A_34 : i32
    %scan3A_36 = arith.constant 1 : i32
    %scan3A_37 = scf.for %scan3A_45 = %scan3A to %scan3A_35 step %scan3A_36 iter_args(%scan3A_46 = %broadcast_in_dim3A_33) -> (vector<512x32xi32>)  : i32 {
      %get3A_47 = arith.constant 0 : index
      %get3A_48 = arith.constant 0 : index
      %get3A_49 = vector.load %arg4[%get3A_47, %get3A_48] : memref<512x2048xf32, #tpu.memory_space<vmem>>, vector<512x2048xf32>
      %reduce_min3A = arith.constant dense<0x7F800000> : vector<512xf32>
      %reduce_min3A_50 = vector.multi_reduction <minimumf>, %get3A_49, %reduce_min3A [1] : vector<512x2048xf32> to vector<512xf32>
      %broadcast_in_dim3A_51 = vector.shape_cast %reduce_min3A_50 : vector<512xf32> to vector<512x1xf32>
      %eq3A = vector.broadcast %broadcast_in_dim3A_51 : vector<512x1xf32> to vector<512x2048xf32>
      %eq3A_52 = arith.cmpf oeq, %get3A_49, %eq3A : vector<512x2048xf32>
      %jit3A = arith.constant 2048 : i32
      %broadcast_in_dim3A_53 = vector.broadcast %jit3A : i32 to vector<512x2048xi32>
      %select_n3A = arith.select %eq3A_52, %iota3A, %broadcast_in_dim3A_53 : vector<512x2048xi1>, vector<512x2048xi32>
      %reduce_min3A_54 = arith.constant dense<2147483647> : vector<512xi32>
      %reduce_min3A_55 = vector.multi_reduction <minsi>, %select_n3A, %reduce_min3A_54 [1] : vector<512x2048xi32> to vector<512xi32>
      %broadcast_in_dim3A_56 = vector.shape_cast %reduce_min3A_55 : vector<512xi32> to vector<512x1xi32>
      %eq3A_57 = vector.broadcast %scan3A_45 : i32 to vector<512x32xi32>
      %eq3A_58 = arith.cmpi eq, %iota3A_32, %eq3A_57 : vector<512x32xi32>
      %broadcast_in_dim3A_59 = vector.shape_cast %broadcast_in_dim3A_56 : vector<512x1xi32> to vector<512x1xi32>
      %broadcast_in_dim3A_60 = vector.broadcast %broadcast_in_dim3A_59 : vector<512x1xi32> to vector<512x32xi32>
      %select_n3A_61 = arith.select %eq3A_58, %broadcast_in_dim3A_60, %scan3A_46 : vector<512x32xi1>, vector<512x32xi32>
      %eq3A_62 = vector.broadcast %broadcast_in_dim3A_56 : vector<512x1xi32> to vector<512x2048xi32>
      %eq3A_63 = arith.cmpi eq, %iota3A, %eq3A_62 : vector<512x2048xi32>
      %jit3A_64 = arith.constant 0x7F800000 : f32
      %broadcast_in_dim3A_65 = vector.broadcast %jit3A_64 : f32 to vector<512x2048xf32>
      %select_n3A_66 = arith.select %eq3A_63, %broadcast_in_dim3A_65, %get3A_49 : vector<512x2048xi1>, vector<512x2048xf32>
      %swap3A_67 = arith.constant 0 : index
      %swap3A_68 = arith.constant 0 : index
      %swap3A_69 = vector.load %arg4[%swap3A_67, %swap3A_68] : memref<512x2048xf32, #tpu.memory_space<vmem>>, vector<512x2048xf32>
      tpu.vector_store %arg4[%swap3A_67, %swap3A_68], %select_n3A_66 {strides = array<i32>} : memref<512x2048xf32, #tpu.memory_space<vmem>>, vector<512x2048xf32>,
      scf.yield %select_n3A_61 : vector<512x32xi32>
    }
    %scan3A_38 = arith.constant 32 : i32
    %swap3A_39 = arith.constant 0 : index
    %swap3A_40 = arith.constant 0 : index
    %swap3A_41 = arith.constant 0 : index
    %swap3A_42 = vector.load %arg3[%swap3A_39, %swap3A_40, %swap3A_41] : memref<1x512x32xi32, #tpu.memory_space<vmem>>, vector<1x512x32xi32>
    %swap3A_43 = vector.shape_cast %swap3A_42 : vector<1x512x32xi32> to vector<512x32xi32>
    %swap3A_44 = vector.shape_cast %scan3A_37 : vector<512x32xi32> to vector<1x512x32xi32>
    tpu.vector_store %arg3[%swap3A_39, %swap3A_40, %swap3A_41], %swap3A_44 {strides = array<i32>} : memref<1x512x32xi32, #tpu.memory_space<vmem>>, vector<1x512x32xi32>,
    return
  }
  func.func @transform_0(%arg0: i32) -> (i32, i32, i32) {
    %c0_i32 = arith.constant 0 : i32
    %c0_i32_0 = arith.constant 0 : i32
    %c0_i32_1 = arith.constant 0 : i32
    return %arg0, %c0_i32, %c0_i32_0 : i32, i32, i32
  }
  func.func @transform_1(%arg0: i32) -> (i32, i32, i32) {
    %c0_i32 = arith.constant 0 : i32
    %c0_i32_0 = arith.constant 0 : i32
    %c0_i32_1 = arith.constant 0 : i32
    return %arg0, %c0_i32, %c0_i32_0 : i32, i32, i32
  }
  func.func @transform_2(%arg0: i32) -> (i32, i32, i32) {
    %c0_i32 = arith.constant 0 : i32
    %c0_i32_0 = arith.constant 0 : i32
    %c0_i32_1 = arith.constant 0 : i32
    return %arg0, %c0_i32, %c0_i32_0 : i32, i32, i32
  }
}

</mosaic_0001>

<sc_bundles>
// kernel: kernel.5.cloned.1.call-start
scs
__scs_entry_jumppad:
0x0: {  	(pc) =	sbr.rel $0x88, $3  }
0x1: {  	(tag) =	ssettag $0x0;
	lr =	simm.s32 $0x1  }
0x2: {  	[smem:$0x3F9F] =	sst lr;
	_ =	strace $0xD0000000  }
0x3: {  	_ = 	snop  }
0x4: {  	_ = 	snop  }
0x5: {  	_ = 	snop  }
0x6: {  	_ = 	snop  }
0x7: {  	_ = 	snop  }
__scs_overlays_trampoline_lowered:
0x8: {  	[smem:$0x3FAE] =	sst s0  }
0x9: {  	[smem:$0x3FAF] =	sst s1  }
0xa: {  	[smem:$0x3FB0] =	sst s2  }
0xb: {  	[smem:$0x3FB1] =	sst s3  }
0xc: {  	[smem:$0x3FB2] =	sst s4  }
0xd: {  	[smem:$0x3FB3] =	sst s5  }
0xe: {  	[smem:$0x3FB4] =	sst s6  }
0xf: {  	[smem:$0x3FB5] =	sst s7  }
0x10: {  	[smem:$0x3FB6] =	sst s8  }
0x11: {  	[smem:$0x3FB7] =	sst s9;
	s0 =	simm.s32 @!p0 $0x0  }
0x12: {  	s1 =	sld [smem:$0x3F9D];
	s0 =	simm.s32 @p0 $0x1  }
0x13: {  	[smem:$0x3FB8] =	sst s0;
	s0 =	simm.s32 @!p1 $0x0  }
0x14: {  	s2 =	sld [smem:$0x3F9C];
	s0 =	simm.s32 @p1 $0x1  }
0x15: {  	[smem:$0x3FB9] =	sst s0;
	s0 =	simm.s32 @!p2 $0x0  }
0x16: {  	s3 =	sld [smem:$0x3FDB];
	s0 =	simm.s32 @p2 $0x1  }
0x17: {  	s4 =	simm.s32 $0x1BF5;
	[smem:$0x3FBB] =	sst s0  }
0x18: {  	s0 =	sld [smem:$0x3F9E];
	_ =	swait.ge [sflag:s4], $0x0  }
0x19: {  	s7 =	sld [smem:$0x3F9F]  }
0x1a: {  	s8 =	sadd.s32 $0xFFFFE003, lr  }
0x1b: {  	s9 =	sadd.s32 $0xFFFFFEF7, lr;
	s5 =	simm.s32 $0xFFFFFFFF;
	p2 =	slt.u32 s8, $0xFFFFF086  }
0x1c: {  	p1 =	slt.u32 s9, $0xF7A;
	s5 =	simm.s32 @!p2 $0x0  }
0x1d: {  	s5 =	simm.s32 @p1 $0x1;
	p0 =	seq.s32 s7, s2  }
0x1e: {  	s7 =	smul.u32 @!p0 $0xF7A, s2;
	p2 =	seq.s32 @!p0 s5, $0x0  }
0x1f: {  	s9 =	smul.u32 $0xF7A, s1;
	s8 =	simm.s32 @!p0 $0x1BF5;
	p2 =	por !p2, p0  }
0x20: {  	[sflag:s8] =	ssyncset.s32 @!p0 $0xFFFFF086;
	s6 =	sadd.s32 @!p0 s3, s7;
	s7 =	simm.s32 @!p0 $0x108  }
0x21: {  	s3 =	sadd.s32 s3, s9;
	s6 =	sadd.s32 @!p0 $0x88, s6;
	s7 =	simm.s32 @p2 $0x1082  }
0x22: {  	[simem:s7], [sflag:s8] =	dma.local @!p0 [hbm:s6], $0xF7A  }
0x23: {  	s9 =	sor.u32 $0xD0000000, s2;
	s6 =	simm.s32 $0x108;
	_ =	swait.ge @!p0 [sflag:s8], $0x0  }
0x24: {  	s3 =	sadd.s32 $0x88, s3;
	s6 =	simm.s32 @!p1 $0x1082;
	[sflag:s4] =	ssyncset.s32 $0xFFFFF086  }
0x25: {  	[simem:s6], [sflag:s4] =	dma.local [hbm:s3], $0xF7A  }
0x26: {  	[smem:$0x3F9F] =	sst s1;
	(tag) =	ssettag s2;
	_ =	strace s9  }
0x27: {  	s1 =	sld [smem:$0x3FAF]  }
0x28: {  	s2 =	sld [smem:$0x3FB0]  }
0x29: {  	s4 =	sld [smem:$0x3FB2]  }
0x2a: {  	p0 =	seq.s32 s5, $0x0;
	s5 =	sld [smem:$0x3FB3]  }
0x2b: {  	s6 =	sld [smem:$0x3FB4]  }
0x2c: {  	s7 =	sld [smem:$0x3FB5]  }
0x2d: {  	s3 =	simm.s32 $0x108;
	s8 =	sld [smem:$0x3FB6]  }
0x2e: {  	s3 =	simm.s32 @!p0 $0x1082;
	s9 =	sld [smem:$0x3FB7]  }
0x2f: {  	lr =	sadd.s32 s0, s3;
	s0 =	sld [smem:$0x3FAE]  }
0x30: {  	s3 =	sld [smem:$0x3FB1]  }
0x31: {  	[smem:$0x3FBA] =	sst s10  }
0x32: {  	s10 =	sld [smem:$0x3FB8];
	_ =	sdelay $0x3  }
0x33: {  	p0 =	seq.s32 s10, $0x1;
	s10 =	sld [smem:$0x3FBA];
	_ =	sdelay $0x3  }
0x34: {  	[smem:$0x3FBA] =	sst s10  }
0x35: {  	s10 =	sld [smem:$0x3FB9];
	_ =	sdelay $0x3  }
0x36: {  	p1 =	seq.s32 s10, $0x1;
	s10 =	sld [smem:$0x3FBA];
	_ =	sdelay $0x3  }
0x37: {  	[smem:$0x3FBA] =	sst s10  }
0x38: {  	s10 =	sld [smem:$0x3FBB]  }
0x39: {  	_ = 	snop;
	(pc) =	sbr.ind lr, $3  }
0x3a: {  	_ = 	snop  }
0x3b: {  	_ = 	snop  }
0x3c: {  	p2 =	seq.s32 s10, $0x1;
	s10 =	sld [smem:$0x3FBA]  }
0x3d: {  	_ =	shalt  }
0x3e: {  	_ =	shalt  }
0x3f: {  	_ =	shalt  }
0x40: {  	_ =	shalt  }
0x41: {  	_ =	shalt  }
0x42: {  	_ =	shalt  }
0x43: {  	_ =	shalt  }
0x44: {  	_ =	shalt  }
0x45: {  	_ =	shalt  }
0x46: {  	_ =	shalt  }
0x47: {  	_ =	shalt  }
0x48: {  	_ =	shalt  }
0x49: {  	_ =	shalt  }
0x4a: {  	_ =	shalt  }
0x4b: {  	_ =	shalt  }
0x4c: {  	_ =	shalt  }
0x4d: {  	_ =	shalt  }
0x4e: {  	_ =	shalt  }
0x4f: {  	_ =	shalt  }
0x50: {  	_ =	shalt  }
0x51: {  	_ =	shalt  }
0x52: {  	_ =	shalt  }
0x53: {  	_ =	shalt  }
0x54: {  	_ =	shalt  }
0x55: {  	_ =	shalt  }
0x56: {  	_ =	shalt  }
0x57: {  	_ =	shalt  }
0x58: {  	_ =	shalt  }
0x59: {  	_ =	shalt  }
0x5a: {  	_ =	shalt  }
0x5b: {  	_ =	shalt  }
0x5c: {  	_ =	shalt  }
0x5d: {  	_ =	shalt  }
0x5e: {  	_ =	shalt  }
0x5f: {  	_ =	shalt  }
0x60: {  	_ =	shalt  }
0x61: {  	_ =	shalt  }
0x62: {  	_ =	shalt  }
0x63: {  	_ =	shalt  }
0x64: {  	_ =	shalt  }
0x65: {  	_ =	shalt  }
0x66: {  	_ =	shalt  }
0x67: {  	_ =	shalt  }
0x68: {  	_ =	shalt  }
0x69: {  	_ =	shalt  }
0x6a: {  	_ =	shalt  }
0x6b: {  	_ =	shalt  }
0x6c: {  	_ =	shalt  }
0x6d: {  	_ =	shalt  }
0x6e: {  	_ =	shalt  }
0x6f: {  	_ =	shalt  }
0x70: {  	_ =	shalt  }
0x71: {  	_ =	shalt  }
0x72: {  	_ =	shalt  }
0x73: {  	_ =	shalt  }
0x74: {  	_ =	shalt  }
0x75: {  	_ =	shalt  }
0x76: {  	_ =	shalt  }
0x77: {  	_ =	shalt  }
0x78: {  	_ =	shalt  }
0x79: {  	_ =	shalt  }
0x7a: {  	_ =	shalt  }
0x7b: {  	_ =	shalt  }
0x7c: {  	_ =	shalt  }
0x7d: {  	_ =	shalt  }
0x7e: {  	_ =	shalt  }
0x7f: {  	_ =	shalt  }
0x80: {  	_ =	shalt  }
0x81: {  	_ =	shalt  }
0x82: {  	_ =	shalt  }
0x83: {  	_ =	shalt  }
0x84: {  	_ =	shalt  }
0x85: {  	_ =	shalt  }
0x86: {  	_ =	shalt  }
0x87: {  	_ =	shalt  }
.Lfunc_end0:
.L_simem_size_0:
called_computation_lowered:
.L_overlay_start_0:
0x88: {  	s2 =	sld [smem:$0x3FD9]  }
0x89: {  	s3 =	sld [smem:$0x3FFE];
	_ =	sdelay $0x1  }
0x8a: {  	s1 =	srdreg.scid  }
0x8b: {  	s0 =	sand.u32 $0x1, s1  }
0x8c: {  	s14 =	sshll.u32 s0, $0xA;
	s2 =	sadd.s32 s3, s2  }
0x8d: {  	s2 =	sadd.s32 s2, s14  }
0x8e: {  	[smem:$0x3FC6] =	sst s2  }
0x8f: {  	_ = 	snop  }
0x90: {  	s2 =	sld [smem:$0x3FD0];
	_ =	sdelay $0x2  }
0x91: {  	s4 =	simm.s32 $0xA;
	s5 =	simm.s32 $0x10;
	s15 =	sld [smem:$0x3FC8]  }
0x92: {  	[smem:s5], [sflag:s4] =	dma.local [hbm:s2], $0x1  }
0x93: {  	_ =	swait.eq [sflag:s4], $0x1  }
0x94: {  	[sflag:s4] =	ssyncset.done $0x0  }
0x95: {  	[sflag:s4] =	ssyncadd.s32 $0xFFFFFFFF  }
0x96: {  	s16 =	sld [smem:$0x11];
	(tm) =	ssettm $0x1  }
0x97: {  	s17 =	sld [smem:$0x3FFB];
	_ =	sdelay $0x3  }
0x98: {  	_ =	strace s17  }
0x99: {  	s4 =	sld [smem:$0x3FFC];
	_ =	sdelay $0x3  }
0x9a: {  	_ =	strace s4  }
0x9b: {  	s4 =	sld [smem:$0x3FFD];
	_ =	sdelay $0x3  }
0x9c: {  	_ =	strace s4  }
0x9d: {  	_ =	strace $0x8FFFFFFF  }
0x9e: {  	s18 =	sld [smem:$0x3FDB];
	_ =	sdelay $0x1  }
0x9f: {  	s19 =	simm.s32 $_scs_section_size  }
0xa0: {  	s6 =	simm.s32 $_size__tile_overlayer_lowered;
	s7 =	simm.s32 $_tile_overlayer_lowered  }
0xa1: {  	s22 =	simm.s32 $0x1BFF;
	s21 =	sshll.u32 s7, $0x1;
	s4 =	sadd.s32 s19, s18  }
0xa2: {  	s8 =	simm.s32 $0x0;
	s20 =	sshll.u32 s6, $0x1;
	s6 =	sadd.s32 s21, s4  }
0xa3: {  	[timem:s8], [sflag:s22] =	dma.local [hbm:s6], s20  }
0xa4: {  	_ =	swait.ge [sflag:s22], s20  }
0xa5: {  	s5 =	ssub.s32 $0x0, s20;
	[sflag:s22] =	ssyncset.done $0x0  }
0xa6: {  	[sflag:s22] =	ssyncadd.s32 s5;
	_ =	sdelay $0x1  }
0xa7: {  	s23 =	simm.s32 $0x1B8B  }
0xa8: {  	_ =	swait.ge [sflag:s23], $0x1  }
0xa9: {  	[sflag:s23] =	ssyncset.done $0x0  }
0xaa: {  	s25 =	simm.s32 $0x1B8E;
	s24 =	sld [smem:$0x3FFE];
	[sflag:s23] =	ssyncadd.s32 $0xFFFFFFFF  }
0xab: {  	s26 =	simm.s32 $execute0_lowered;
	[smem:$0x3FD2] =	sst s25  }
0xac: {  	s6 =	sshll.u32 s26, $0x1;
	_ =	strace $0x80000046;
	[dreg:$0x1] =	wrdreg $0xFFFFFFFF  }
0xad: {  	s28 =	simm.s32 $_size_execute0_lowered;
	s4 =	sadd.s32 s4, s6;
	[dreg:$0x0] =	wrdreg $0x0  }
0xae: {  	s6 =	sshll.u32 s28, $0x1;
	[dreg:$0x2] =	wrdreg s4  }
0xaf: {  	[dreg:$0x3] =	wrdreg s6  }
0xb0: {  	[dreg:$0x4] =	wrdreg $0xC0  }
0xb1: {  	_ =	task [dreg:s8], $0x5FFFF  }
0xb2: {  	[dreg:$0x1] =	wrdreg $0xFFFFFFFF  }
0xb3: {  	[dreg:$0x0] =	wrdreg $0x60  }
0xb4: {  	[dreg:$0x2] =	wrdreg s15  }
0xb5: {  	[dreg:$0x3] =	wrdreg s24  }
0xb6: {  	[dreg:$0x4] =	wrdreg s16  }
0xb7: {  	[dreg:$0x5] =	wrdreg $0x9  }
0xb8: {  	_ =	task.clear_ibuf [dreg:s8], $0x6FFFF;
	_ =	strace $0x90000046  }
0xb9: {  	s29 =	simm.s32 $0x9;
	_ =	strace $0x80000048  }
0xba: {  	_ =	swait.ge [sflag:s29], $0x1  }
0xbb: {  	[sflag:s29] =	ssyncadd.s32 $0xFFFFFFFF  }
0xbc: {  	_ =	strace $0x90000048  }
0xbd: {  	_ =	sfence  }
0xbe: {  	s30 =	sld [smem:$0x0];
	_ =	sdelay $0x2  }
0xbf: {  	s31 =	sshll.u32 s1, $0xD;
	s1 =	sshrl.u32 s1, $0x2  }
0xc0: {  	s3 =	sand.u32 $0x4000, s31;
	s1 =	sadd.s32 s1, s30  }
0xc1: {  	s0 =	sor.u32 s3, s0;
	s1 =	sshll.u32 s1, $0x11  }
0xc2: {  	s0 =	sor.u32 s1, s0  }
0xc3: {  	s0 =	sadd.s32 $0x8F2B, s0  }
0xc4: {  	[sflag:s0] =	ssyncadd.remote.s32 $0x1  }
0xc5: {  	_ =	sfence.sel $0xFFFF  }
0xc6: {  	[dreg:$0x0] =	wrdreg $0xFFFFFFFF;
	(pc) =	sbr.abs _section_cstart, $3  }
0xc7: {  	[dreg:$0x1] =	wrdreg $0xFFFFFFFF  }
0xc8: {  	_ =	task.clear_ibuf [dreg:s8], $0x2FFFF;
	_ =	strace $0x9FFFFFFF  }
0xc9: {  	(tm) =	ssettm $0x7FFFFFFF  }
tec
execute0_lowered:
.L_overlay_start_1:
0x0: {  	(tag) =	ssettag $0x1  }
0x1: {  	s1 =	rddreg [dreg:$0x0]  }
0x2: {  	s0 =	rddreg [dreg:$0x1]  }
0x3: {  	s3 =	rddreg [dreg:$0x2];
	s2 =	srdreg.scid;
	s4 =	simm.s32 $0x0  }
0x4: {  	s5 =	stileid.u32;
	s10 =	simm.s32 $0x5;
	s19 =	simm.s32 $0x1  }
0x5: {  	s25 =	simm.s32 $0x8080;
	s28 =	simm.s32 $0x9080;
	s29 =	simm.s32 $0x9880  }
0x6: {  	s30 =	simm.s32 $0xA080;
	s31 =	simm.s32 $0x2;
	s11 =	simm.s32 $0x4  }
0x7: {  	s12 =	simm.s32 $0x0;
	s2 =	sand.u32 $0x1, s2;
	[smem:$0x7FF] =	sst s4  }
0x8: {  	s5 =	sshll.u32 s5, $0x7;
	s6 =	sshll.u32 s2, $0x6;
	s2 =	ssub.s32 $0x2, s2  }
0x9: {  	_ =	strace $0x80000047;
	s5 =	sor.u32 s6, s5;
	s26 =	sshrl.u32 s2, $0x1  }
0xa: {  	s6 =	sshll.u32 s5, $0x4;
	s7 =	sshrl.u32 s5, $0x3;
	s2 =	ssub.s32 s2, s26  }
0xb: {  	v2 =	vlaneseq.u32;
	s26 =	simm.s32 $0x8880;
	s8 =	sadd.s32 s6, s0;
	s0 =	sadd.s32 s7, s0  }
0xc: {  	vm0 =	vmmov $0xffff;
	v1 =	vshrl.u32 v2, $0x3;
	s9 =	smax.u32 s2, $0x1;
	s2 =	simm.s32 $0x3;
	s6 =	sadd.s32 $0x1A00, s0  }
0xd: {  	v0 =	vand.u32 $0x7, v2;
	v2 =	vor.u32 $0x8, v2;
	v1 =	vmul.u32 $0x8, v1;
	s7 =	sadd.s32 $0x1C00, s8;
	s8 =	sadd.s32 $0x800, s3;
	s0 =	simm.s32 $0xE080  }
.LBB2_1:
0xe: {  	[tilespmem:s4], [sflag:$0x5] =	stream.linear.gather [hbm4b:s6+s4], $0x40, $0x38;
	[tilespmem:$0x12080] =	vst v63  }
0xf: {  	_ =	swait.ge [sflag:s10], $0x40  }
0x10: {  	[sflag:s10] =	ssyncset.done $0x0  }
0x11: {  	[sflag:s10] =	ssyncadd.s32 $0xFFFFFFC0  }
0x12: {  	v3 =	vld [tilespmem:$0x0];
	_ =	sdelay $0x4  }
0x13: {  	v4 =	vshll.u32 v3, $0x1  }
0x14: {  	v3 =	vand.u32 $0x7, v3;
	v4 =	vand.u32 $0xFFFFFFF0, v4  }
0x15: {  	v3 =	vor.u32 v3, v4  }
0x16: {  	v4 =	vperm.xlane v3, v0;
	_ =	sdelay $0x1  }
0x17: {  	v3 =	vperm.xlane v3, v2;
	v4 =	vadd.s32 v1, v4;
	_ =	sdelay $0x1  }
0x18: {  	v3 =	vadd.s32 v1, v3;
	_ =	sdelay $0x1  }
0x19: {  	s13 =	simm.s32 $0x80  }
0x1a: {  	[tilespmem:s13], [sflag:$0x1] =	stream.indirect_vreg.gather [hbm4b:s1+s4], $0x80, v4, vm0, $0xb8;
	[tilespmem:$0x12080] =	vst v63  }
0x1b: {  	s23 =	simm.s32 $0x880  }
0x1c: {  	[tilespmem:s23], [sflag:$0x1] =	stream.indirect_vreg.gather [hbm4b:s1+s4], $0x80, v3, vm0, $0xb8;
	[tilespmem:$0x12080] =	vst v63  }
0x1d: {  	v3 =	vld [tilespmem:$0x10];
	_ =	sdelay $0x4  }
0x1e: {  	v59 =	vshll.u32 v3, $0x1  }
0x1f: {  	v3 =	vand.u32 $0x7, v3;
	v4 =	vand.u32 $0xFFFFFFF0, v59  }
0x20: {  	v3 =	vor.u32 v3, v4  }
0x21: {  	v4 =	vperm.xlane v3, v0;
	_ =	sdelay $0x1  }
0x22: {  	v3 =	vperm.xlane v3, v2;
	v4 =	vadd.s32 v1, v4;
	_ =	sdelay $0x1  }
0x23: {  	v3 =	vadd.s32 v1, v3;
	_ =	sdelay $0x1  }
0x24: {  	s24 =	simm.s32 $0x1080  }
0x25: {  	[tilespmem:s24], [sflag:$0x1] =	stream.indirect_vreg.gather [hbm4b:s1+s4], $0x80, v4, vm0, $0xb8;
	[tilespmem:$0x12080] =	vst v63  }
0x26: {  	s14 =	simm.s32 $0x1880  }
0x27: {  	[tilespmem:s14], [sflag:$0x1] =	stream.indirect_vreg.gather [hbm4b:s1+s4], $0x80, v3, vm0, $0xb8;
	[tilespmem:$0x12080] =	vst v63  }
0x28: {  	v3 =	vld [tilespmem:$0x20];
	_ =	sdelay $0x4  }
0x29: {  	v60 =	vshll.u32 v3, $0x1  }
0x2a: {  	v3 =	vand.u32 $0x7, v3;
	v4 =	vand.u32 $0xFFFFFFF0, v60  }
0x2b: {  	v3 =	vor.u32 v3, v4  }
0x2c: {  	v4 =	vperm.xlane v3, v0;
	_ =	sdelay $0x1  }
0x2d: {  	v3 =	vperm.xlane v3, v2;
	v4 =	vadd.s32 v1, v4;
	_ =	sdelay $0x1  }
0x2e: {  	v3 =	vadd.s32 v1, v3;
	_ =	sdelay $0x1  }
0x2f: {  	s15 =	simm.s32 $0x2080  }
0x30: {  	[tilespmem:s15], [sflag:$0x1] =	stream.indirect_vreg.gather [hbm4b:s1+s4], $0x80, v4, vm0, $0xb8;
	[tilespmem:$0x12080] =	vst v63  }
0x31: {  	s16 =	simm.s32 $0x2880  }
0x32: {  	[tilespmem:s16], [sflag:$0x1] =	stream.indirect_vreg.gather [hbm4b:s1+s4], $0x80, v3, vm0, $0xb8;
	[tilespmem:$0x12080] =	vst v63  }
0x33: {  	v3 =	vld [tilespmem:$0x30];
	_ =	sdelay $0x4  }
0x34: {  	v61 =	vshll.u32 v3, $0x1  }
0x35: {  	v3 =	vand.u32 $0x7, v3;
	v4 =	vand.u32 $0xFFFFFFF0, v61  }
0x36: {  	v3 =	vor.u32 v3, v4  }
0x37: {  	v4 =	vperm.xlane v3, v0;
	_ =	sdelay $0x1  }
0x38: {  	v3 =	vperm.xlane v3, v2;
	v4 =	vadd.s32 v1, v4;
	_ =	sdelay $0x1  }
0x39: {  	v3 =	vadd.s32 v1, v3;
	_ =	sdelay $0x1  }
0x3a: {  	s17 =	simm.s32 $0x3080  }
0x3b: {  	[tilespmem:s17], [sflag:$0x1] =	stream.indirect_vreg.gather [hbm4b:s1+s4], $0x80, v4, vm0, $0xb8;
	[tilespmem:$0x12080] =	vst v63  }
0x3c: {  	s18 =	simm.s32 $0x3880  }
0x3d: {  	[tilespmem:s18], [sflag:$0x1] =	stream.indirect_vreg.gather [hbm4b:s1+s4], $0x80, v3, vm0, $0xb8;
	[tilespmem:$0x12080] =	vst v63  }
0x3e: {  	_ =	swait.ge [sflag:s19], $0x4000  }
0x3f: {  	[sflag:s19] =	ssyncset.done $0x0  }
0x40: {  	s20 =	simm.s32 $0x4080;
	[sflag:s19] =	ssyncadd.s32 $0xFFFFC000  }
0x41: {  	[tilespmem:s20], [sflag:$0x5] =	stream.linear.gather [hbm4b:s7+s4], $0x2000, $0x38;
	[tilespmem:$0x12080] =	vst v63  }
0x42: {  	_ =	swait.ge [sflag:s10], $0x2000  }
0x43: {  	[sflag:s10] =	ssyncset.done $0x0  }
0x44: {  	[sflag:s10] =	ssyncadd.s32 $0xFFFFE000  }
0x45: {  	v3 =	vld [tilespmem:$0x4080];
	_ =	sdelay $0x4  }
0x46: {  	v62 =	vshll.u32 v3, $0x1  }
0x47: {  	v3 =	vand.u32 $0x7, v3;
	v4 =	vand.u32 $0xFFFFFFF0, v62  }
0x48: {  	v3 =	vor.u32 v3, v4  }
0x49: {  	v4 =	vperm.xlane v3, v0;
	_ =	sdelay $0x1  }
0x4a: {  	v3 =	vperm.xlane v3, v2;
	v4 =	vadd.s32 v1, v4;
	_ =	sdelay $0x1  }
0x4b: {  	v3 =	vadd.s32 v1, v3;
	_ =	sdelay $0x1  }
0x4c: {  	s21 =	simm.s32 $0x6080  }
0x4d: {  	[tilespmem:s21], [sflag:$0x1] =	stream.indirect_vreg.gather [hbm4b:s1+s4], $0x80, v4, vm0, $0xb8;
	[tilespmem:$0x12080] =	vst v63  }
0x4e: {  	s22 =	simm.s32 $0x6880  }
0x4f: {  	[tilespmem:s22], [sflag:$0x1] =	stream.indirect_vreg.gather [hbm4b:s1+s4], $0x80, v3, vm0, $0xb8;
	[tilespmem:$0x12080] =	vst v63  }
0x50: {  	v3 =	vld [tilespmem:$0x4090];
	_ =	sdelay $0x4  }
0x51: {  	v63 =	vshll.u32 v3, $0x1  }
0x52: {  	v3 =	vand.u32 $0x7, v3;
	v4 =	vand.u32 $0xFFFFFFF0, v63  }
0x53: {  	v3 =	vor.u32 v3, v4  }
0x54: {  	v4 =	vperm.xlane v3, v0;
	_ =	sdelay $0x1  }
0x55: {  	v3 =	vperm.xlane v3, v2;
	v4 =	vadd.s32 v1, v4;
	_ =	sdelay $0x1  }
0x56: {  	v3 =	vadd.s32 v1, v3;
	_ =	sdelay $0x1  }
0x57: {  	s23 =	simm.s32 $0x7080  }
0x58: {  	[tilespmem:s23], [sflag:$0x1] =	stream.indirect_vreg.gather [hbm4b:s1+s4], $0x80, v4, vm0, $0xb8;
	[tilespmem:$0x12080] =	vst v63  }
0x59: {  	s13 =	simm.s32 $0x0;
	s24 =	simm.s32 $0x7880  }
0x5a: {  	[tilespmem:s24], [sflag:$0x1] =	stream.indirect_vreg.gather [hbm4b:s1+s4], $0x80, v3, vm0, $0xb8;
	[tilespmem:$0x12080] =	vst v63  }
.LBB2_2:
0x5b: {  	_ =	swait.ge [sflag:s19], $0x2000;
	s14 =	sshllo.u32 s13, $0x1  }
0x5c: {  	[sflag:s19] =	ssyncset.done $0x0;
	s14 =	sshll.u32 s14, $0x7  }
0x5d: {  	[sflag:s19] =	ssyncadd.s32 $0xFFFFE000;
	s15 =	sand.u32 $0x3FFFFF80, s14  }
0x5e: {  	v3 =	vld [tilespmem:s15+$0x4080];
	_ =	sdelay $0x4  }
0x5f: {  	v4 =	vshll.u32 v3, $0x1  }
0x60: {  	v3 =	vand.u32 $0x7, v3;
	v4 =	vand.u32 $0xFFFFFFF0, v4  }
0x61: {  	v3 =	vor.u32 v3, v4  }
0x62: {  	v4 =	vperm.xlane v3, v0;
	_ =	sdelay $0x1  }
0x63: {  	v3 =	vperm.xlane v3, v2;
	v4 =	vadd.s32 v1, v4;
	_ =	sdelay $0x1  }
0x64: {  	v3 =	vadd.s32 v1, v3;
	_ =	sdelay $0x2  }
0x65: {  	[tilespmem:s25], [sflag:$0x2] =	stream.indirect_vreg.gather [hbm4b:s1+s4], $0x80, v4, vm0, $0xb8;
	[tilespmem:$0x12080] =	vst v63  }
0x66: {  	_ = 	snop  }
0x67: {  	[tilespmem:s26], [sflag:$0x2] =	stream.indirect_vreg.gather [hbm4b:s1+s4], $0x80, v3, vm0, $0xb8;
	[tilespmem:$0x12080] =	vst v63  }
0x68: {  	v3 =	vld [tilespmem:s15+$0x4090];
	_ =	sdelay $0x4  }
0x69: {  	v4 =	vshll.u32 v3, $0x1  }
0x6a: {  	v3 =	vand.u32 $0x7, v3;
	v4 =	vand.u32 $0xFFFFFFF0, v4  }
0x6b: {  	v3 =	vor.u32 v3, v4  }
0x6c: {  	v4 =	vperm.xlane v3, v0;
	_ =	sdelay $0x1  }
0x6d: {  	v3 =	vperm.xlane v3, v2;
	v4 =	vadd.s32 v1, v4;
	_ =	sdelay $0x1  }
0x6e: {  	v3 =	vadd.s32 v1, v3;
	_ =	sdelay $0x1  }
0x6f: {  	p0 =	seq.s32 s13, $0x0  }
0x70: {  	[tilespmem:s28], [sflag:$0x2] =	stream.indirect_vreg.gather [hbm4b:s1+s4], $0x80, v4, vm0, $0xb8;
	[tilespmem:$0x12080] =	vst v63  }
0x71: {  	s21 =	sshll.u32 s13, $0x9;
	s16 =	simm.s32 @!p0 $0x3  }
0x72: {  	[tilespmem:s29], [sflag:$0x2] =	stream.indirect_vreg.gather [hbm4b:s1+s4], $0x80, v3, vm0, $0xb8;
	[tilespmem:$0x12080] =	vst v63  }
0x73: {  	s17 =	sshll.u32 s13, $0x8;
	s15 =	sand.u32 $0x3800, s21;
	_ =	swait.ge @!p0 [sflag:s16], $0x4000  }
0x74: {  	s17 =	sand.u32 $0x300, s17;
	s15 =	sor.u32 $0x80, s15;
	[sflag:s16] =	ssyncset.done @!p0 $0x0  }
0x75: {  	s17 =	sor.u32 s17, s15;
	[sflag:s16] =	ssyncadd.s32 @!p0 $0xFFFFC000  }
0x76: {  	v18 =	vld [tilespmem:s17+$0x0]  }
0x77: {  	v17 =	vld [tilespmem:s17+$0x10]  }
0x78: {  	v16 =	vld [tilespmem:s17+$0x20]  }
0x79: {  	v15 =	vld [tilespmem:s17+$0x30]  }
0x7a: {  	v14 =	vld [tilespmem:s17+$0x40]  }
0x7b: {  	v13 =	vld [tilespmem:s17+$0x50]  }
0x7c: {  	v12 =	vld [tilespmem:s17+$0x60]  }
0x7d: {  	v11 =	vld [tilespmem:s17+$0x70]  }
0x7e: {  	s22 =	simm.s32 $0x0;
	s18 =	simm.s32 $0x0;
	v10 =	vld [tilespmem:s17+$0x400]  }
0x7f: {  	s20 =	sand.u32 $0x380, s22;
	s23 =	sand.u32 $0x3FFFF800, s18;
	v9 =	vld [tilespmem:s17+$0x410]  }
0x80: {  	s16 =	sor.u32 s20, s23;
	v8 =	vld [tilespmem:s17+$0x420]  }
0x81: {  	v19 =	vld [tilespmem:s16+$0x6080]  }
0x82: {  	v7 =	vld [tilespmem:s17+$0x430]  }
0x83: {  	v6 =	vld [tilespmem:s17+$0x440]  }
0x84: {  	s24 =	simm.s32 $0x0;
	v5 =	vld [tilespmem:s17+$0x450]  }
0x85: {  	s18 =	sand.u32 $0x3FFFF000, s24;
	v4 =	vld [tilespmem:s17+$0x460]  }
0x86: {  	v3 =	vld [tilespmem:s17+$0x470];
	s17 =	sor.u32 s20, s18;
	v19 =	vsub.f32 v19, v18  }
0x87: {  	[tilespmem:s17+$0xA880] =	vst v18  }
0x88: {  	[tilespmem:s17+$0xA080] =	vst v19  }
0x89: {  	v19 =	vld [tilespmem:s16+$0x6090];
	_ =	sdelay $0x4  }
0x8a: {  	v19 =	vsub.f32 v19, v17  }
0x8b: {  	[tilespmem:s17+$0xA890] =	vst v17  }
0x8c: {  	[tilespmem:s17+$0xA090] =	vst v19  }
0x8d: {  	v19 =	vld [tilespmem:s16+$0x60A0];
	_ =	sdelay $0x4  }
0x8e: {  	v19 =	vsub.f32 v19, v16  }
0x8f: {  	[tilespmem:s17+$0xA8A0] =	vst v16  }
0x90: {  	[tilespmem:s17+$0xA0A0] =	vst v19  }
0x91: {  	v19 =	vld [tilespmem:s16+$0x60B0];
	_ =	sdelay $0x4  }
0x92: {  	v19 =	vsub.f32 v19, v15  }
0x93: {  	[tilespmem:s17+$0xA8B0] =	vst v15  }
0x94: {  	[tilespmem:s17+$0xA0B0] =	vst v19  }
0x95: {  	v19 =	vld [tilespmem:s16+$0x60C0];
	_ =	sdelay $0x4  }
0x96: {  	v19 =	vsub.f32 v19, v14  }
0x97: {  	[tilespmem:s17+$0xA8C0] =	vst v14  }
0x98: {  	[tilespmem:s17+$0xA0C0] =	vst v19  }
0x99: {  	v19 =	vld [tilespmem:s16+$0x60D0];
	_ =	sdelay $0x4  }
0x9a: {  	v19 =	vsub.f32 v19, v13  }
0x9b: {  	[tilespmem:s17+$0xA8D0] =	vst v13  }
0x9c: {  	[tilespmem:s17+$0xA0D0] =	vst v19  }
0x9d: {  	v19 =	vld [tilespmem:s16+$0x60E0];
	_ =	sdelay $0x4  }
0x9e: {  	v19 =	vsub.f32 v19, v12  }
0x9f: {  	[tilespmem:s17+$0xA8E0] =	vst v12  }
0xa0: {  	[tilespmem:s17+$0xA0E0] =	vst v19  }
0xa1: {  	v19 =	vld [tilespmem:s16+$0x60F0];
	_ =	sdelay $0x4  }
0xa2: {  	v19 =	vsub.f32 v19, v11  }
0xa3: {  	[tilespmem:s17+$0xA8F0] =	vst v11  }
0xa4: {  	[tilespmem:s17+$0xA0F0] =	vst v19  }
0xa5: {  	v19 =	vld [tilespmem:s16+$0x6480];
	_ =	sdelay $0x4  }
0xa6: {  	v19 =	vsub.f32 v19, v10  }
0xa7: {  	[tilespmem:s17+$0xAC80] =	vst v10  }
0xa8: {  	[tilespmem:s17+$0xA480] =	vst v19  }
0xa9: {  	v19 =	vld [tilespmem:s16+$0x6490];
	_ =	sdelay $0x4  }
0xaa: {  	v19 =	vsub.f32 v19, v9  }
0xab: {  	[tilespmem:s17+$0xAC90] =	vst v9  }
0xac: {  	[tilespmem:s17+$0xA490] =	vst v19  }
0xad: {  	v19 =	vld [tilespmem:s16+$0x64A0];
	_ =	sdelay $0x4  }
0xae: {  	v19 =	vsub.f32 v19, v8  }
0xaf: {  	[tilespmem:s17+$0xACA0] =	vst v8  }
0xb0: {  	[tilespmem:s17+$0xA4A0] =	vst v19  }
0xb1: {  	v19 =	vld [tilespmem:s16+$0x64B0];
	_ =	sdelay $0x4  }
0xb2: {  	v19 =	vsub.f32 v19, v7  }
0xb3: {  	[tilespmem:s17+$0xACB0] =	vst v7  }
0xb4: {  	[tilespmem:s17+$0xA4B0] =	vst v19  }
0xb5: {  	v19 =	vld [tilespmem:s16+$0x64C0];
	_ =	sdelay $0x4  }
0xb6: {  	v19 =	vsub.f32 v19, v6  }
0xb7: {  	[tilespmem:s17+$0xACC0] =	vst v6  }
0xb8: {  	[tilespmem:s17+$0xA4C0] =	vst v19  }
0xb9: {  	v19 =	vld [tilespmem:s16+$0x64D0];
	_ =	sdelay $0x4  }
0xba: {  	v19 =	vsub.f32 v19, v5  }
0xbb: {  	[tilespmem:s17+$0xACD0] =	vst v5  }
0xbc: {  	[tilespmem:s17+$0xA4D0] =	vst v19  }
0xbd: {  	v19 =	vld [tilespmem:s16+$0x64E0];
	_ =	sdelay $0x4  }
0xbe: {  	v19 =	vsub.f32 v19, v4  }
0xbf: {  	[tilespmem:s17+$0xACE0] =	vst v4  }
0xc0: {  	[tilespmem:s17+$0xA4E0] =	vst v19  }
0xc1: {  	v19 =	vld [tilespmem:s16+$0x64F0];
	_ =	sdelay $0x2  }
0xc2: {  	s22 =	simm.s32 $0x100  }
0xc3: {  	s22 =	sand.u32 $0x3FFFF800, s22;
	s21 =	simm.s32 $0x2;
	s20 =	simm.s32 $0x80  }
0xc4: {  	s18 =	simm.s32 $0x1;
	s23 =	sand.u32 $0x380, s20;
	s16 =	sshll.u32 s13, $0x1;
	[tilespmem:s17+$0xACF0] =	vst v3;
	v19 =	vsub.f32 v19, v3  }
.LBB2_3:
0xc5: {  	p0 =	sne.s32 s21, $0x1F  }
0xc6: {  	s22 =	sor.u32 s23, s22;
	[tilespmem:s17+$0xA4F0] =	vst v19;
	s17 =	smov.u32 s21;
	s21 =	sadd.s32 $0x1, s21  }
0xc7: {  	v19 =	vld [tilespmem:s22+$0x6080];
	_ =	sdelay $0x2  }
0xc8: {  	s24 =	sshll.u32 s18, $0x9;
	s18 =	smov.u32 s17  }
0xc9: {  	s17 =	sand.u32 $0x3FFFF000, s24  }
0xca: {  	s17 =	sor.u32 s23, s17;
	v19 =	vsub.f32 v19, v18  }
0xcb: {  	[tilespmem:s17+$0xA880] =	vst v18  }
0xcc: {  	[tilespmem:s17+$0xA080] =	vst v19  }
0xcd: {  	v19 =	vld [tilespmem:s22+$0x6090];
	_ =	sdelay $0x4  }
0xce: {  	v19 =	vsub.f32 v19, v17  }
0xcf: {  	[tilespmem:s17+$0xA890] =	vst v17  }
0xd0: {  	[tilespmem:s17+$0xA090] =	vst v19  }
0xd1: {  	v19 =	vld [tilespmem:s22+$0x60A0];
	_ =	sdelay $0x4  }
0xd2: {  	v19 =	vsub.f32 v19, v16  }
0xd3: {  	[tilespmem:s17+$0xA8A0] =	vst v16  }
0xd4: {  	[tilespmem:s17+$0xA0A0] =	vst v19  }
0xd5: {  	v19 =	vld [tilespmem:s22+$0x60B0];
	_ =	sdelay $0x4  }
0xd6: {  	v19 =	vsub.f32 v19, v15  }
0xd7: {  	[tilespmem:s17+$0xA8B0] =	vst v15  }
0xd8: {  	[tilespmem:s17+$0xA0B0] =	vst v19  }
0xd9: {  	v19 =	vld [tilespmem:s22+$0x60C0];
	_ =	sdelay $0x4  }
0xda: {  	v19 =	vsub.f32 v19, v14  }
0xdb: {  	[tilespmem:s17+$0xA8C0] =	vst v14  }
0xdc: {  	[tilespmem:s17+$0xA0C0] =	vst v19  }
0xdd: {  	v19 =	vld [tilespmem:s22+$0x60D0];
	_ =	sdelay $0x4  }
0xde: {  	v19 =	vsub.f32 v19, v13  }
0xdf: {  	[tilespmem:s17+$0xA8D0] =	vst v13  }
0xe0: {  	[tilespmem:s17+$0xA0D0] =	vst v19  }
0xe1: {  	v19 =	vld [tilespmem:s22+$0x60E0];
	_ =	sdelay $0x4  }
0xe2: {  	v19 =	vsub.f32 v19, v12  }
0xe3: {  	[tilespmem:s17+$0xA8E0] =	vst v12  }
0xe4: {  	[tilespmem:s17+$0xA0E0] =	vst v19  }
0xe5: {  	v19 =	vld [tilespmem:s22+$0x60F0];
	_ =	sdelay $0x4  }
0xe6: {  	v19 =	vsub.f32 v19, v11  }
0xe7: {  	[tilespmem:s17+$0xA8F0] =	vst v11  }
0xe8: {  	[tilespmem:s17+$0xA0F0] =	vst v19  }
0xe9: {  	v19 =	vld [tilespmem:s22+$0x6480]  }
0xea: {  	[tilespmem:s17+$0xAC80] =	vst v10;
	_ =	sdelay $0x3  }
0xeb: {  	v19 =	vsub.f32 v19, v10;
	_ =	sdelay $0x1  }
0xec: {  	[tilespmem:s17+$0xA480] =	vst v19  }
0xed: {  	v19 =	vld [tilespmem:s22+$0x6490]  }
0xee: {  	[tilespmem:s17+$0xAC90] =	vst v9;
	_ =	sdelay $0x3  }
0xef: {  	v19 =	vsub.f32 v19, v9;
	_ =	sdelay $0x1  }
0xf0: {  	[tilespmem:s17+$0xA490] =	vst v19  }
0xf1: {  	v19 =	vld [tilespmem:s22+$0x64A0]  }
0xf2: {  	[tilespmem:s17+$0xACA0] =	vst v8;
	_ =	sdelay $0x3  }
0xf3: {  	v19 =	vsub.f32 v19, v8;
	_ =	sdelay $0x1  }
0xf4: {  	[tilespmem:s17+$0xA4A0] =	vst v19  }
0xf5: {  	v19 =	vld [tilespmem:s22+$0x64B0]  }
0xf6: {  	[tilespmem:s17+$0xACB0] =	vst v7;
	_ =	sdelay $0x3  }
0xf7: {  	v19 =	vsub.f32 v19, v7;
	_ =	sdelay $0x1  }
0xf8: {  	[tilespmem:s17+$0xA4B0] =	vst v19  }
0xf9: {  	v19 =	vld [tilespmem:s22+$0x64C0]  }
0xfa: {  	[tilespmem:s17+$0xACC0] =	vst v6;
	_ =	sdelay $0x3  }
0xfb: {  	v19 =	vsub.f32 v19, v6;
	_ =	sdelay $0x1  }
0xfc: {  	[tilespmem:s17+$0xA4C0] =	vst v19  }
0xfd: {  	v19 =	vld [tilespmem:s22+$0x64D0]  }
0xfe: {  	[tilespmem:s17+$0xACD0] =	vst v5;
	_ =	sdelay $0x3  }
0xff: {  	v19 =	vsub.f32 v19, v5;
	_ =	sdelay $0x1  }
0x100: {  	[tilespmem:s17+$0xA4D0] =	vst v19  }
0x101: {  	v19 =	vld [tilespmem:s22+$0x64E0]  }
0x102: {  	[tilespmem:s17+$0xACE0] =	vst v4;
	_ =	sdelay $0x3  }
0x103: {  	v19 =	vsub.f32 v19, v4;
	_ =	sdelay $0x1  }
0x104: {  	[tilespmem:s17+$0xA4E0] =	vst v19  }
0x105: {  	v19 =	vld [tilespmem:s22+$0x64F0]  }
0x106: {  	[tilespmem:s17+$0xACF0] =	vst v3  }
.Ltmp0:
0x107: {  	(pc) =	sbr.rel @p0 .LBB2_3-.Ltmp0, $3  }
0x108: {  	_ =	sdelay $0x1  }
0x109: {  	s20 =	sadd.s32 $0x80, s20;
	s22 =	sshll.u32 s18, $0x8;
	v19 =	vsub.f32 v19, v3  }
0x10a: {  	s23 =	sand.u32 $0x380, s20;
	s22 =	sand.u32 $0x3FFFF800, s22  }
0x10b: {  	s20 =	sor.u32 s23, s22;
	[tilespmem:s17+$0xA4F0] =	vst v19  }
0x10c: {  	v19 =	vld [tilespmem:s20+$0x6080];
	_ =	sdelay $0x2  }
0x10d: {  	s22 =	sshll.u32 s18, $0x9  }
0x10e: {  	s17 =	sand.u32 $0x3FFFF000, s22  }
0x10f: {  	s17 =	sor.u32 s23, s17;
	v19 =	vsub.f32 v19, v18  }
0x110: {  	[tilespmem:s17+$0xA880] =	vst v18  }
0x111: {  	[tilespmem:s17+$0xA080] =	vst v19  }
0x112: {  	v18 =	vld [tilespmem:s20+$0x6090];
	_ =	sdelay $0x4  }
0x113: {  	v18 =	vsub.f32 v18, v17  }
0x114: {  	[tilespmem:s17+$0xA890] =	vst v17  }
0x115: {  	[tilespmem:s17+$0xA090] =	vst v18  }
0x116: {  	v17 =	vld [tilespmem:s20+$0x60A0];
	_ =	sdelay $0x4  }
0x117: {  	v17 =	vsub.f32 v17, v16  }
0x118: {  	[tilespmem:s17+$0xA8A0] =	vst v16  }
0x119: {  	[tilespmem:s17+$0xA0A0] =	vst v17  }
0x11a: {  	v16 =	vld [tilespmem:s20+$0x60B0];
	_ =	sdelay $0x4  }
0x11b: {  	v16 =	vsub.f32 v16, v15  }
0x11c: {  	[tilespmem:s17+$0xA8B0] =	vst v15  }
0x11d: {  	[tilespmem:s17+$0xA0B0] =	vst v16  }
0x11e: {  	v15 =	vld [tilespmem:s20+$0x60C0];
	_ =	sdelay $0x4  }
0x11f: {  	v15 =	vsub.f32 v15, v14  }
0x120: {  	[tilespmem:s17+$0xA8C0] =	vst v14  }
0x121: {  	[tilespmem:s17+$0xA0C0] =	vst v15  }
0x122: {  	v14 =	vld [tilespmem:s20+$0x60D0];
	_ =	sdelay $0x4  }
0x123: {  	v14 =	vsub.f32 v14, v13  }
0x124: {  	[tilespmem:s17+$0xA8D0] =	vst v13  }
0x125: {  	[tilespmem:s17+$0xA0D0] =	vst v14  }
0x126: {  	v13 =	vld [tilespmem:s20+$0x60E0];
	_ =	sdelay $0x4  }
0x127: {  	v13 =	vsub.f32 v13, v12  }
0x128: {  	[tilespmem:s17+$0xA8E0] =	vst v12  }
0x129: {  	[tilespmem:s17+$0xA0E0] =	vst v13  }
0x12a: {  	v12 =	vld [tilespmem:s20+$0x60F0];
	_ =	sdelay $0x4  }
0x12b: {  	v12 =	vsub.f32 v12, v11  }
0x12c: {  	[tilespmem:s17+$0xA8F0] =	vst v11  }
0x12d: {  	[tilespmem:s17+$0xA0F0] =	vst v12  }
0x12e: {  	v11 =	vld [tilespmem:s20+$0x6480];
	_ =	sdelay $0x4  }
0x12f: {  	v11 =	vsub.f32 v11, v10  }
0x130: {  	[tilespmem:s17+$0xAC80] =	vst v10  }
0x131: {  	[tilespmem:s17+$0xA480] =	vst v11  }
0x132: {  	v10 =	vld [tilespmem:s20+$0x6490];
	_ =	sdelay $0x4  }
0x133: {  	v10 =	vsub.f32 v10, v9  }
0x134: {  	[tilespmem:s17+$0xAC90] =	vst v9  }
0x135: {  	[tilespmem:s17+$0xA490] =	vst v10  }
0x136: {  	v9 =	vld [tilespmem:s20+$0x64A0];
	_ =	sdelay $0x4  }
0x137: {  	v9 =	vsub.f32 v9, v8  }
0x138: {  	[tilespmem:s17+$0xACA0] =	vst v8  }
0x139: {  	[tilespmem:s17+$0xA4A0] =	vst v9  }
0x13a: {  	v8 =	vld [tilespmem:s20+$0x64B0];
	_ =	sdelay $0x4  }
0x13b: {  	v8 =	vsub.f32 v8, v7  }
0x13c: {  	[tilespmem:s17+$0xACB0] =	vst v7  }
0x13d: {  	[tilespmem:s17+$0xA4B0] =	vst v8  }
0x13e: {  	v7 =	vld [tilespmem:s20+$0x64C0];
	_ =	sdelay $0x4  }
0x13f: {  	v7 =	vsub.f32 v7, v6  }
0x140: {  	[tilespmem:s17+$0xACC0] =	vst v6  }
0x141: {  	[tilespmem:s17+$0xA4C0] =	vst v7  }
0x142: {  	v6 =	vld [tilespmem:s20+$0x64D0];
	_ =	sdelay $0x4  }
0x143: {  	v6 =	vsub.f32 v6, v5  }
0x144: {  	[tilespmem:s17+$0xACD0] =	vst v5  }
0x145: {  	[tilespmem:s17+$0xA4D0] =	vst v6  }
0x146: {  	v5 =	vld [tilespmem:s20+$0x64E0];
	_ =	sdelay $0x4  }
0x147: {  	v5 =	vsub.f32 v5, v4  }
0x148: {  	[tilespmem:s17+$0xACE0] =	vst v4  }
0x149: {  	[tilespmem:s17+$0xA4E0] =	vst v5  }
0x14a: {  	v4 =	vld [tilespmem:s20+$0x64F0];
	_ =	sdelay $0x4  }
0x14b: {  	s16 =	sor.u32 s5, s16;
	v4 =	vsub.f32 v4, v3  }
0x14c: {  	s16 =	sshll.u32 s16, $0xB;
	[tilespmem:s17+$0xACF0] =	vst v3  }
0x14d: {  	s24 =	sadd.s32 s3, s16;
	[tilespmem:s17+$0xA4F0] =	vst v4  }
0x14e: {  	[hbm4b:s24+s4] =	stream.linear.scatter [tilespmem:s30], [sflag:$0x3], $0x4000, $0x38;
	[tilespmem:$0x12080] =	vst v63  }
0x14f: {  	p0 =	seq.s32 s13, $0x1F;
	_ =	swait.ge [sflag:s31], $0x2000  }
0x150: {  	s17 =	sshll.u32 @!p0 s13, $0x8;
	[sflag:s31] =	ssyncset.done $0x0  }
0x151: {  	s17 =	sand.u32 @!p0 $0x3FFFFF00, s17;
	[sflag:s31] =	ssyncadd.s32 $0xFFFFE000  }
0x152: {  	v3 =	vld @!p0 [tilespmem:s17+$0x4180];
	_ =	sdelay $0x4  }
0x153: {  	v4 =	vshll.u32 @!p0 v3, $0x1  }
0x154: {  	v5 =	vlaneseq.u32 @!p0;
	v3 =	vand.u32 @!p0 $0x7, v3;
	v4 =	vand.u32 @!p0 $0xFFFFFFF0, v4  }
0x155: {  	v6 =	vshrl.u32 @!p0 v5, $0x3;
	v3 =	vor.u32 @!p0 v3, v4;
	v4 =	vand.u32 @!p0 $0x7, v5  }
0x156: {  	v6 =	vmul.u32 @!p0 $0x8, v6;
	v7 =	vperm.xlane @!p0 v3, v4  }
0x157: {  	v5 =	vor.u32 @!p0 $0x8, v5  }
0x158: {  	v3 =	vperm.xlane @!p0 v3, v5;
	v7 =	vadd.s32 @!p0 v6, v7;
	_ =	sdelay $0x1  }
0x159: {  	v3 =	vadd.s32 @!p0 v6, v3;
	_ =	sdelay $0x1  }
0x15a: {  	vm1 =	vmmov @!p0 $0xffff;
	s18 =	simm.s32 @!p0 $0x0;
	s20 =	simm.s32 @!p0 $0x6080  }
0x15b: {  	[tilespmem:s20], [sflag:$0x1] =	stream.indirect_vreg.gather @!p0 [hbm4b:s1+s18], $0x80, v7, vm1, $0xb8;
	[tilespmem:$0x12080] =	vst v63  }
0x15c: {  	s20 =	simm.s32 @!p0 $0x6880  }
0x15d: {  	[tilespmem:s20], [sflag:$0x1] =	stream.indirect_vreg.gather @!p0 [hbm4b:s1+s18], $0x80, v3, vm1, $0xb8;
	[tilespmem:$0x12080] =	vst v63  }
0x15e: {  	v3 =	vld @!p0 [tilespmem:s17+$0x4190];
	_ =	sdelay $0x4  }
0x15f: {  	v7 =	vshll.u32 @!p0 v3, $0x1  }
0x160: {  	v3 =	vand.u32 @!p0 $0x7, v3;
	v7 =	vand.u32 @!p0 $0xFFFFFFF0, v7  }
0x161: {  	v3 =	vor.u32 @!p0 v3, v7  }
0x162: {  	v4 =	vperm.xlane @!p0 v3, v4;
	_ =	sdelay $0x1  }
0x163: {  	v3 =	vperm.xlane @!p0 v3, v5;
	v4 =	vadd.s32 @!p0 v6, v4;
	_ =	sdelay $0x1  }
0x164: {  	v3 =	vadd.s32 @!p0 v6, v3;
	_ =	sdelay $0x1  }
0x165: {  	s17 =	simm.s32 @!p0 $0x7080  }
0x166: {  	[tilespmem:s17], [sflag:$0x1] =	stream.indirect_vreg.gather @!p0 [hbm4b:s1+s18], $0x80, v4, vm1, $0xb8;
	[tilespmem:$0x12080] =	vst v63  }
0x167: {  	p1 =	seq.s32 @!p0 s13, $0x0;
	s17 =	simm.s32 @!p0 $0x7880  }
0x168: {  	[tilespmem:s17], [sflag:$0x1] =	stream.indirect_vreg.gather @!p0 [hbm4b:s1+s18], $0x80, v3, vm1, $0xb8;
	[tilespmem:$0x12080] =	vst v63  }
0x169: {  	p0 =	por p0, !p1  }
0x16a: {  	_ =	swait.ge @p0 [sflag:s11], $0x4000  }
0x16b: {  	s14 =	sand.u32 $0x380, s14;
	[sflag:s11] =	ssyncset.done @p0 $0x0  }
0x16c: {  	s14 =	sadd.s32 s14, s15;
	[sflag:s11] =	ssyncadd.s32 @p0 $0xFFFFC000  }
0x16d: {  	v18 =	vld [tilespmem:s14+$0x0]  }
0x16e: {  	v17 =	vld [tilespmem:s14+$0x10]  }
0x16f: {  	v16 =	vld [tilespmem:s14+$0x20]  }
0x170: {  	v15 =	vld [tilespmem:s14+$0x30]  }
0x171: {  	v14 =	vld [tilespmem:s14+$0x40]  }
0x172: {  	v13 =	vld [tilespmem:s14+$0x50]  }
0x173: {  	v12 =	vld [tilespmem:s14+$0x60]  }
0x174: {  	v11 =	vld [tilespmem:s14+$0x70]  }
0x175: {  	s20 =	simm.s32 $0x0;
	s18 =	simm.s32 $0x0;
	v10 =	vld [tilespmem:s14+$0x400]  }
0x176: {  	s22 =	sand.u32 $0x3FFFF800, s20;
	s21 =	sand.u32 $0x380, s18;
	v9 =	vld [tilespmem:s14+$0x410]  }
0x177: {  	s15 =	sor.u32 s21, s22;
	v8 =	vld [tilespmem:s14+$0x420]  }
0x178: {  	v19 =	vld [tilespmem:s15+$0x8080]  }
0x179: {  	v7 =	vld [tilespmem:s14+$0x430]  }
0x17a: {  	v6 =	vld [tilespmem:s14+$0x440]  }
0x17b: {  	s23 =	simm.s32 $0x0;
	v5 =	vld [tilespmem:s14+$0x450]  }
0x17c: {  	s17 =	sand.u32 $0x3FFFF000, s23;
	v4 =	vld [tilespmem:s14+$0x460]  }
0x17d: {  	v3 =	vld [tilespmem:s14+$0x470];
	s14 =	sor.u32 s21, s17;
	v19 =	vsub.f32 v19, v18  }
0x17e: {  	[tilespmem:s14+$0xE880] =	vst v18  }
0x17f: {  	[tilespmem:s14+$0xE080] =	vst v19  }
0x180: {  	v19 =	vld [tilespmem:s15+$0x8090];
	_ =	sdelay $0x4  }
0x181: {  	v19 =	vsub.f32 v19, v17  }
0x182: {  	[tilespmem:s14+$0xE890] =	vst v17  }
0x183: {  	[tilespmem:s14+$0xE090] =	vst v19  }
0x184: {  	v19 =	vld [tilespmem:s15+$0x80A0];
	_ =	sdelay $0x4  }
0x185: {  	v19 =	vsub.f32 v19, v16  }
0x186: {  	[tilespmem:s14+$0xE8A0] =	vst v16  }
0x187: {  	[tilespmem:s14+$0xE0A0] =	vst v19  }
0x188: {  	v19 =	vld [tilespmem:s15+$0x80B0];
	_ =	sdelay $0x4  }
0x189: {  	v19 =	vsub.f32 v19, v15  }
0x18a: {  	[tilespmem:s14+$0xE8B0] =	vst v15  }
0x18b: {  	[tilespmem:s14+$0xE0B0] =	vst v19  }
0x18c: {  	v19 =	vld [tilespmem:s15+$0x80C0];
	_ =	sdelay $0x4  }
0x18d: {  	v19 =	vsub.f32 v19, v14  }
0x18e: {  	[tilespmem:s14+$0xE8C0] =	vst v14  }
0x18f: {  	[tilespmem:s14+$0xE0C0] =	vst v19  }
0x190: {  	v19 =	vld [tilespmem:s15+$0x80D0];
	_ =	sdelay $0x4  }
0x191: {  	v19 =	vsub.f32 v19, v13  }
0x192: {  	[tilespmem:s14+$0xE8D0] =	vst v13  }
0x193: {  	[tilespmem:s14+$0xE0D0] =	vst v19  }
0x194: {  	v19 =	vld [tilespmem:s15+$0x80E0];
	_ =	sdelay $0x4  }
0x195: {  	v19 =	vsub.f32 v19, v12  }
0x196: {  	[tilespmem:s14+$0xE8E0] =	vst v12  }
0x197: {  	[tilespmem:s14+$0xE0E0] =	vst v19  }
0x198: {  	v19 =	vld [tilespmem:s15+$0x80F0];
	_ =	sdelay $0x4  }
0x199: {  	v19 =	vsub.f32 v19, v11  }
0x19a: {  	[tilespmem:s14+$0xE8F0] =	vst v11  }
0x19b: {  	[tilespmem:s14+$0xE0F0] =	vst v19  }
0x19c: {  	v19 =	vld [tilespmem:s15+$0x8480];
	_ =	sdelay $0x4  }
0x19d: {  	v19 =	vsub.f32 v19, v10  }
0x19e: {  	[tilespmem:s14+$0xEC80] =	vst v10  }
0x19f: {  	[tilespmem:s14+$0xE480] =	vst v19  }
0x1a0: {  	v19 =	vld [tilespmem:s15+$0x8490];
	_ =	sdelay $0x4  }
0x1a1: {  	v19 =	vsub.f32 v19, v9  }
0x1a2: {  	[tilespmem:s14+$0xEC90] =	vst v9  }
0x1a3: {  	[tilespmem:s14+$0xE490] =	vst v19  }
0x1a4: {  	v19 =	vld [tilespmem:s15+$0x84A0];
	_ =	sdelay $0x4  }
0x1a5: {  	v19 =	vsub.f32 v19, v8  }
0x1a6: {  	[tilespmem:s14+$0xECA0] =	vst v8  }
0x1a7: {  	[tilespmem:s14+$0xE4A0] =	vst v19  }
0x1a8: {  	v19 =	vld [tilespmem:s15+$0x84B0];
	_ =	sdelay $0x4  }
0x1a9: {  	v19 =	vsub.f32 v19, v7  }
0x1aa: {  	[tilespmem:s14+$0xECB0] =	vst v7  }
0x1ab: {  	[tilespmem:s14+$0xE4B0] =	vst v19  }
0x1ac: {  	v19 =	vld [tilespmem:s15+$0x84C0];
	_ =	sdelay $0x4  }
0x1ad: {  	v19 =	vsub.f32 v19, v6  }
0x1ae: {  	[tilespmem:s14+$0xECC0] =	vst v6  }
0x1af: {  	[tilespmem:s14+$0xE4C0] =	vst v19  }
0x1b0: {  	v19 =	vld [tilespmem:s15+$0x84D0];
	_ =	sdelay $0x4  }
0x1b1: {  	v19 =	vsub.f32 v19, v5  }
0x1b2: {  	[tilespmem:s14+$0xECD0] =	vst v5  }
0x1b3: {  	[tilespmem:s14+$0xE4D0] =	vst v19  }
0x1b4: {  	v19 =	vld [tilespmem:s15+$0x84E0];
	_ =	sdelay $0x4  }
0x1b5: {  	v19 =	vsub.f32 v19, v4  }
0x1b6: {  	[tilespmem:s14+$0xECE0] =	vst v4  }
0x1b7: {  	[tilespmem:s14+$0xE4E0] =	vst v19  }
0x1b8: {  	v19 =	vld [tilespmem:s15+$0x84F0];
	_ =	sdelay $0x2  }
0x1b9: {  	s24 =	simm.s32 $0x100  }
0x1ba: {  	s20 =	sand.u32 $0x3FFFF800, s24;
	s17 =	simm.s32 $0x80  }
0x1bb: {  	s18 =	simm.s32 $0x2;
	s21 =	sand.u32 $0x380, s17;
	s15 =	simm.s32 $0x1;
	[tilespmem:s14+$0xECF0] =	vst v3;
	v19 =	vsub.f32 v19, v3  }
.LBB2_5:
0x1bc: {  	p0 =	sne.s32 s18, $0x1F  }
0x1bd: {  	s20 =	sor.u32 s21, s20;
	[tilespmem:s14+$0xE4F0] =	vst v19;
	s14 =	smov.u32 s18;
	s18 =	sadd.s32 $0x1, s18  }
0x1be: {  	v19 =	vld [tilespmem:s20+$0x8080];
	_ =	sdelay $0x2  }
0x1bf: {  	s22 =	sshll.u32 s15, $0x9;
	s15 =	smov.u32 s14  }
0x1c0: {  	s14 =	sand.u32 $0x3FFFF000, s22  }
0x1c1: {  	s14 =	sor.u32 s21, s14;
	v19 =	vsub.f32 v19, v18  }
0x1c2: {  	[tilespmem:s14+$0xE880] =	vst v18  }
0x1c3: {  	[tilespmem:s14+$0xE080] =	vst v19  }
0x1c4: {  	v19 =	vld [tilespmem:s20+$0x8090];
	_ =	sdelay $0x4  }
0x1c5: {  	v19 =	vsub.f32 v19, v17  }
0x1c6: {  	[tilespmem:s14+$0xE890] =	vst v17  }
0x1c7: {  	[tilespmem:s14+$0xE090] =	vst v19  }
0x1c8: {  	v19 =	vld [tilespmem:s20+$0x80A0];
	_ =	sdelay $0x4  }
0x1c9: {  	v19 =	vsub.f32 v19, v16  }
0x1ca: {  	[tilespmem:s14+$0xE8A0] =	vst v16  }
0x1cb: {  	[tilespmem:s14+$0xE0A0] =	vst v19  }
0x1cc: {  	v19 =	vld [tilespmem:s20+$0x80B0];
	_ =	sdelay $0x4  }
0x1cd: {  	v19 =	vsub.f32 v19, v15  }
0x1ce: {  	[tilespmem:s14+$0xE8B0] =	vst v15  }
0x1cf: {  	[tilespmem:s14+$0xE0B0] =	vst v19  }
0x1d0: {  	v19 =	vld [tilespmem:s20+$0x80C0];
	_ =	sdelay $0x4  }
0x1d1: {  	v19 =	vsub.f32 v19, v14  }
0x1d2: {  	[tilespmem:s14+$0xE8C0] =	vst v14  }
0x1d3: {  	[tilespmem:s14+$0xE0C0] =	vst v19  }
0x1d4: {  	v19 =	vld [tilespmem:s20+$0x80D0];
	_ =	sdelay $0x4  }
0x1d5: {  	v19 =	vsub.f32 v19, v13  }
0x1d6: {  	[tilespmem:s14+$0xE8D0] =	vst v13  }
0x1d7: {  	[tilespmem:s14+$0xE0D0] =	vst v19  }
0x1d8: {  	v19 =	vld [tilespmem:s20+$0x80E0];
	_ =	sdelay $0x4  }
0x1d9: {  	v19 =	vsub.f32 v19, v12  }
0x1da: {  	[tilespmem:s14+$0xE8E0] =	vst v12  }
0x1db: {  	[tilespmem:s14+$0xE0E0] =	vst v19  }
0x1dc: {  	v19 =	vld [tilespmem:s20+$0x80F0];
	_ =	sdelay $0x4  }
0x1dd: {  	v19 =	vsub.f32 v19, v11  }
0x1de: {  	[tilespmem:s14+$0xE8F0] =	vst v11  }
0x1df: {  	[tilespmem:s14+$0xE0F0] =	vst v19  }
0x1e0: {  	v19 =	vld [tilespmem:s20+$0x8480]  }
0x1e1: {  	[tilespmem:s14+$0xEC80] =	vst v10;
	_ =	sdelay $0x3  }
0x1e2: {  	v19 =	vsub.f32 v19, v10;
	_ =	sdelay $0x1  }
0x1e3: {  	[tilespmem:s14+$0xE480] =	vst v19  }
0x1e4: {  	v19 =	vld [tilespmem:s20+$0x8490]  }
0x1e5: {  	[tilespmem:s14+$0xEC90] =	vst v9;
	_ =	sdelay $0x3  }
0x1e6: {  	v19 =	vsub.f32 v19, v9;
	_ =	sdelay $0x1  }
0x1e7: {  	[tilespmem:s14+$0xE490] =	vst v19  }
0x1e8: {  	v19 =	vld [tilespmem:s20+$0x84A0]  }
0x1e9: {  	[tilespmem:s14+$0xECA0] =	vst v8;
	_ =	sdelay $0x3  }
0x1ea: {  	v19 =	vsub.f32 v19, v8;
	_ =	sdelay $0x1  }
0x1eb: {  	[tilespmem:s14+$0xE4A0] =	vst v19  }
0x1ec: {  	v19 =	vld [tilespmem:s20+$0x84B0]  }
0x1ed: {  	[tilespmem:s14+$0xECB0] =	vst v7;
	_ =	sdelay $0x3  }
0x1ee: {  	v19 =	vsub.f32 v19, v7;
	_ =	sdelay $0x1  }
0x1ef: {  	[tilespmem:s14+$0xE4B0] =	vst v19  }
0x1f0: {  	v19 =	vld [tilespmem:s20+$0x84C0]  }
0x1f1: {  	[tilespmem:s14+$0xECC0] =	vst v6;
	_ =	sdelay $0x3  }
0x1f2: {  	v19 =	vsub.f32 v19, v6;
	_ =	sdelay $0x1  }
0x1f3: {  	[tilespmem:s14+$0xE4C0] =	vst v19  }
0x1f4: {  	v19 =	vld [tilespmem:s20+$0x84D0]  }
0x1f5: {  	[tilespmem:s14+$0xECD0] =	vst v5;
	_ =	sdelay $0x3  }
0x1f6: {  	v19 =	vsub.f32 v19, v5;
	_ =	sdelay $0x1  }
0x1f7: {  	[tilespmem:s14+$0xE4D0] =	vst v19  }
0x1f8: {  	v19 =	vld [tilespmem:s20+$0x84E0]  }
0x1f9: {  	[tilespmem:s14+$0xECE0] =	vst v4;
	_ =	sdelay $0x3  }
0x1fa: {  	v19 =	vsub.f32 v19, v4;
	_ =	sdelay $0x1  }
0x1fb: {  	[tilespmem:s14+$0xE4E0] =	vst v19  }
0x1fc: {  	v19 =	vld [tilespmem:s20+$0x84F0]  }
0x1fd: {  	[tilespmem:s14+$0xECF0] =	vst v3  }
.Ltmp1:
0x1fe: {  	(pc) =	sbr.rel @p0 .LBB2_5-.Ltmp1, $3  }
0x1ff: {  	_ =	sdelay $0x1  }
0x200: {  	s17 =	sadd.s32 $0x80, s17;
	s20 =	sshll.u32 s15, $0x8;
	v19 =	vsub.f32 v19, v3  }
0x201: {  	s21 =	sand.u32 $0x380, s17;
	s20 =	sand.u32 $0x3FFFF800, s20  }
0x202: {  	s17 =	sor.u32 s21, s20;
	[tilespmem:s14+$0xE4F0] =	vst v19  }
0x203: {  	v19 =	vld [tilespmem:s17+$0x8080];
	_ =	sdelay $0x2  }
0x204: {  	s23 =	sshll.u32 s15, $0x9  }
0x205: {  	s14 =	sand.u32 $0x3FFFF000, s23  }
0x206: {  	s14 =	sor.u32 s21, s14;
	v19 =	vsub.f32 v19, v18  }
0x207: {  	[tilespmem:s14+$0xE880] =	vst v18  }
0x208: {  	[tilespmem:s14+$0xE080] =	vst v19  }
0x209: {  	v18 =	vld [tilespmem:s17+$0x8090];
	_ =	sdelay $0x4  }
0x20a: {  	v18 =	vsub.f32 v18, v17  }
0x20b: {  	[tilespmem:s14+$0xE890] =	vst v17  }
0x20c: {  	[tilespmem:s14+$0xE090] =	vst v18  }
0x20d: {  	v17 =	vld [tilespmem:s17+$0x80A0];
	_ =	sdelay $0x4  }
0x20e: {  	v17 =	vsub.f32 v17, v16  }
0x20f: {  	[tilespmem:s14+$0xE8A0] =	vst v16  }
0x210: {  	[tilespmem:s14+$0xE0A0] =	vst v17  }
0x211: {  	v16 =	vld [tilespmem:s17+$0x80B0];
	_ =	sdelay $0x4  }
0x212: {  	v16 =	vsub.f32 v16, v15  }
0x213: {  	[tilespmem:s14+$0xE8B0] =	vst v15  }
0x214: {  	[tilespmem:s14+$0xE0B0] =	vst v16  }
0x215: {  	v15 =	vld [tilespmem:s17+$0x80C0];
	_ =	sdelay $0x4  }
0x216: {  	v15 =	vsub.f32 v15, v14  }
0x217: {  	[tilespmem:s14+$0xE8C0] =	vst v14  }
0x218: {  	[tilespmem:s14+$0xE0C0] =	vst v15  }
0x219: {  	v14 =	vld [tilespmem:s17+$0x80D0];
	_ =	sdelay $0x4  }
0x21a: {  	v14 =	vsub.f32 v14, v13  }
0x21b: {  	[tilespmem:s14+$0xE8D0] =	vst v13  }
0x21c: {  	[tilespmem:s14+$0xE0D0] =	vst v14  }
0x21d: {  	v13 =	vld [tilespmem:s17+$0x80E0];
	_ =	sdelay $0x4  }
0x21e: {  	v13 =	vsub.f32 v13, v12  }
0x21f: {  	[tilespmem:s14+$0xE8E0] =	vst v12  }
0x220: {  	[tilespmem:s14+$0xE0E0] =	vst v13  }
0x221: {  	v12 =	vld [tilespmem:s17+$0x80F0];
	_ =	sdelay $0x4  }
0x222: {  	v12 =	vsub.f32 v12, v11  }
0x223: {  	[tilespmem:s14+$0xE8F0] =	vst v11  }
0x224: {  	[tilespmem:s14+$0xE0F0] =	vst v12  }
0x225: {  	v11 =	vld [tilespmem:s17+$0x8480];
	_ =	sdelay $0x4  }
0x226: {  	v11 =	vsub.f32 v11, v10  }
0x227: {  	[tilespmem:s14+$0xEC80] =	vst v10  }
0x228: {  	[tilespmem:s14+$0xE480] =	vst v11  }
0x229: {  	v10 =	vld [tilespmem:s17+$0x8490];
	_ =	sdelay $0x4  }
0x22a: {  	v10 =	vsub.f32 v10, v9  }
0x22b: {  	[tilespmem:s14+$0xEC90] =	vst v9  }
0x22c: {  	[tilespmem:s14+$0xE490] =	vst v10  }
0x22d: {  	v9 =	vld [tilespmem:s17+$0x84A0];
	_ =	sdelay $0x4  }
0x22e: {  	v9 =	vsub.f32 v9, v8  }
0x22f: {  	[tilespmem:s14+$0xECA0] =	vst v8  }
0x230: {  	[tilespmem:s14+$0xE4A0] =	vst v9  }
0x231: {  	v8 =	vld [tilespmem:s17+$0x84B0];
	_ =	sdelay $0x4  }
0x232: {  	v8 =	vsub.f32 v8, v7  }
0x233: {  	[tilespmem:s14+$0xECB0] =	vst v7  }
0x234: {  	[tilespmem:s14+$0xE4B0] =	vst v8  }
0x235: {  	v7 =	vld [tilespmem:s17+$0x84C0];
	_ =	sdelay $0x4  }
0x236: {  	v7 =	vsub.f32 v7, v6  }
0x237: {  	[tilespmem:s14+$0xECC0] =	vst v6  }
0x238: {  	[tilespmem:s14+$0xE4C0] =	vst v7  }
0x239: {  	v6 =	vld [tilespmem:s17+$0x84D0];
	_ =	sdelay $0x4  }
0x23a: {  	v6 =	vsub.f32 v6, v5  }
0x23b: {  	[tilespmem:s14+$0xECD0] =	vst v5  }
0x23c: {  	[tilespmem:s14+$0xE4D0] =	vst v6  }
0x23d: {  	v5 =	vld [tilespmem:s17+$0x84E0];
	_ =	sdelay $0x4  }
0x23e: {  	v5 =	vsub.f32 v5, v4  }
0x23f: {  	[tilespmem:s14+$0xECE0] =	vst v4  }
0x240: {  	[tilespmem:s14+$0xE4E0] =	vst v5  }
0x241: {  	v4 =	vld [tilespmem:s17+$0x84F0];
	_ =	sdelay $0x1  }
0x242: {  	s13 =	sadd.s32 $0x1, s13  }
0x243: {  	p0 =	sne.s32 s13, $0x20  }
.Ltmp2:
0x244: {  	_ = 	snop;
	(pc) =	sbr.rel @p0 .LBB2_2-.Ltmp2, $4  }
0x245: {  	v4 =	vsub.f32 v4, v3  }
0x246: {  	[tilespmem:s14+$0xECF0] =	vst v3  }
0x247: {  	s24 =	sadd.s32 s16, s8;
	[tilespmem:s14+$0xE4F0] =	vst v4  }
0x248: {  	[hbm4b:s24+s4] =	stream.linear.scatter [tilespmem:s0], [sflag:$0x4], $0x4000, $0x38;
	[tilespmem:$0x12080] =	vst v63  }
0x249: {  	s12 =	sadd.s32 $0x1, s12  }
0x24a: {  	_ =	swait.ge [sflag:s2], $0x4000;
	p0 =	sne.s32 s12, s9  }
.Ltmp3:
0x24b: {  	[sflag:s2] =	ssyncset.done $0x0;
	(pc) =	sbr.rel @p0 .LBB2_1-.Ltmp3, $4  }
0x24c: {  	[sflag:s2] =	ssyncadd.s32 $0xFFFFC000  }
0x24d: {  	_ =	swait.ge [sflag:s11], $0x4000  }
0x24e: {  	[sflag:s11] =	ssyncset.done $0x0  }
0x24f: {  	[sflag:s11] =	ssyncadd.s32 $0xFFFFC000  }
0x250: {  	_ =	sfence.sel $0x180000  }
0x251: {  	[bflag:$0x0] =	sbarrier.arrive $0xFFFF  }
0x252: {  	_ =	strace $0x90000047  }
0x253: {  	s0 =	stileid.u32;
	[bflag:$0x2] =	sbarrier.arrive $0xFFFF  }
0x254: {  	p0 =	sne.s32 s0, $0x0;
	s0 =	rddreg [dreg:$0x3]  }
0x255: {  	s0 =	sadd.s32 @!p0 $0x100000, s0  }
0x256: {  	[sflag:s0] =	ssyncadd.tile.s32 @!p0 $0x1;
	_ =	shalt  }
.Lfunc_end2:
_tile_overlayer_lowered:
.L_overlay_start_2:
0x257: {  	(tag) =	ssettag $0x2  }
0x258: {  	s0 =	rddreg [dreg:$0x0];
	s2 =	stileid.u32  }
0x259: {  	s1 =	rddreg [dreg:$0x1];
	p0 =	sne.s32 s2, $0x0  }
0x25a: {  	s3 =	rddreg [dreg:$0x2];
	[bflag:$0x3] =	sbarrier.arrive $0xFFFF;
	s2 =	simm.s32 @!p0 $0x1C05  }
0x25b: {  	[timem:s3], [sflag:s2] =	dma.local @!p0 [hbm:s0], s1  }
0x25c: {  	s0 =	simm.s32 @!p0 $0x5  }
0x25d: {  	_ =	swait.ge @!p0 [sflag:s0], s1  }
0x25e: {  	s1 =	ssub.s32 @!p0 $0x0, s1;
	[sflag:s0] =	ssyncset.done @!p0 $0x0  }
0x25f: {  	[sflag:s0] =	ssyncadd.s32 @!p0 s1  }
0x260: {  	[bflag:$0x3] =	sbarrier.arrive $0xFFFF  }
0x261: {  	_ =	shalt  }

</sc_bundles>
